<compile_context>
chip_gen: v7x
topology: tpu7x:2x2x1
jax: 0.10.2.dev20260603
libtpu: 0.0.44.dev20260713+nightly
codegen_flags: <defaults>
</compile_context>

<pallas_src>
import jax
import jax.numpy as jnp
from jax.experimental import pallas as pl
from jax.experimental.pallas import tpu as pltpu
from jax.experimental.pallas import tpu_sc as plsc

_LANES = 16
_BS = 256
_BR = 4
_S0 = 3328


def _add_bcast(x_ref, p_ref, o_ref):
    o_ref[...] = x_ref[...] + p_ref[...]


def _tc_part(x, pos_table, nb, batch_off, seq_len):
    B, S, D = x.shape
    return pl.pallas_call(
        _add_bcast,
        grid=(seq_len // _BS,),
        in_specs=[
            pl.BlockSpec((nb, _BS, D), lambda i: (batch_off, i, 0)),
            pl.BlockSpec((_BS, D), lambda i: (i, 0)),
        ],
        out_specs=pl.BlockSpec((nb, _BS, D), lambda i: (0, i, 0)),
        out_shape=jax.ShapeDtypeStruct((nb, seq_len, D), x.dtype),
        compiler_params=pltpu.CompilerParams(
            dimension_semantics=("parallel",),
        ),
    )(x, pos_table)


def _sc_part(x, pos_table):
    B, S, D = x.shape
    n_rows = S - _S0
    blk0 = _S0 // _BR

    mesh = plsc.VectorSubcoreMesh(core_axis_name="c", subcore_axis_name="s")

    @pl.kernel(
        out_type=jax.ShapeDtypeStruct((1, n_rows, D), x.dtype), mesh=mesh
    )
    def sc_add(x_hbm, p_hbm, o_hbm):
        def body(x_vmem, p_vmem, o_vmem):
            @pl.loop(0, _BR)
            def _(r):
                @pl.loop(0, D, step=4 * _LANES)
                def _(c0):
                    for j in range(4):
                        c = c0 + j * _LANES
                        o_vmem[0, r, pl.ds(c, _LANES)] = (
                            x_vmem[0, r, pl.ds(c, _LANES)]
                            + p_vmem[r, pl.ds(c, _LANES)]
                        )

        pltpu.emit_pipeline(
            body,
            grid=(n_rows // _BR,),
            in_specs=[
                pl.BlockSpec((1, _BR, D), index_map=lambda i: (3, blk0 + i, 0)),
                pl.BlockSpec((_BR, D), index_map=lambda i: (blk0 + i, 0)),
            ],
            out_specs=[pl.BlockSpec((1, _BR, D), index_map=lambda i: (0, i, 0))],
            core_axis_name=("c", "s"),
            dimension_semantics=(pltpu.PARALLEL,),
        )(x_hbm, p_hbm, o_hbm)

    return sc_add(x, pos_table)


def kernel(x, pos_table):
    B, S, D = x.shape
    tc1 = _tc_part(x, pos_table, 3, 0, S)
    tc2 = _tc_part(x, pos_table, 1, 3, _S0)
    sc = _sc_part(x, pos_table)
    flat = jnp.concatenate(
        [tc1.reshape(-1, D), tc2.reshape(-1, D), sc.reshape(-1, D)], axis=0
    )
    return flat.reshape(B, S, D)

# --- scband reference (transcript-rebuilt; emitter-appended) ---
"""Pipeline reference for scband-learnable-positional-encoding-37374805410189 (READ-ONLY COPY).

The authoritative reference and input builder live on the scoring server;
editing this copy changes nothing except your own understanding.
"""

import jax, jax.numpy as jnp
import numpy as np

D_MODEL = 1024
MAX_LEN = 8192

def setup_inputs(seed: int = 0) -> dict:
    key = jax.random.key(seed)
    kx, kw = jax.random.split(key)
    x = jax.random.normal(kx, (4, 8192, D_MODEL), dtype=jnp.float32)
    # learned positional embedding table, ~N(0,1) like nn.Embedding default init
    pos_table = jax.random.normal(kw, (MAX_LEN, D_MODEL), dtype=jnp.float32)
    return {"x": x, "pos_table": pos_table}

def reference(x, pos_table):
    seq_len = x.shape[1]
    positions = jnp.arange(seq_len)[None, :]          # [1, S]
    position_encodings = jnp.take(pos_table, positions, axis=0)  # [1, S, D]
    return x + position_encodings

if __name__ == "__main__":
    import jax
    _d = setup_inputs()
    print(jax.jit(kernel)(*tuple(_d.values())))

</pallas_src>

<mosaic_0001>
#map = affine_map<(d0, d1) -> (0, 0, 0)>
#map1 = affine_map<(d0, d1) -> (0, 0)>
module attributes {stable_mosaic.version = 14 : i64} {
  func.func @sc_add(%arg0: i32, %arg1: i32, %arg2: memref<4x8192x1024xf32, #tpu.memory_space<hbm>>, %arg3: memref<8192x1024xf32, #tpu.memory_space<hbm>>, %arg4: memref<1x4864x1024xf32, #tpu.memory_space<hbm>>) attributes {dimension_semantics = [#tpu.dimension_semantics<core_parallel>, #tpu.dimension_semantics<subcore_parallel>], iteration_bounds = array<i64: 2, 16>, scalar_prefetch = 0 : i64, scratch_operands = 0 : i64, tpu.core_type = #tpu.core_type<sc_vector_subcore>, window_params = [{transform_indices = #map}, {transform_indices = #map1}, {transform_indices = #map}]} {
    %mul3A = arith.constant 1 : i32
    %mul3A_0 = arith.muli %arg1, %mul3A : i32
    %add3A = arith.constant 0 : i32
    %add3A_1 = arith.addi %add3A, %mul3A_0 : i32
    %mul3A_2 = arith.constant 16 : i32
    %mul3A_3 = arith.muli %arg0, %mul3A_2 : i32
    %add3A_4 = arith.addi %add3A_1, %mul3A_3 : i32
    %mul3A_5 = arith.constant 38 : i32
    %mul3A_6 = arith.muli %add3A_4, %mul3A_5 : i32
    "tpu.region"() ({
      %run_scoped3A = memref.alloca() : memref<2x1x4x1024xf32, #tpu.memory_space<vmem>>
      %run_scoped3A_7 = tpu.sem_alloc : memref<2x!tpu.dma_semaphore, #tpu.memory_space<semaphore_mem>>
      %run_scoped3A_8 = memref.alloca() : memref<2x4x1024xf32, #tpu.memory_space<vmem>>
      %run_scoped3A_9 = tpu.sem_alloc : memref<2x!tpu.dma_semaphore, #tpu.memory_space<semaphore_mem>>
      %run_scoped3A_10 = memref.alloca() : memref<2x1x4x1024xf32, #tpu.memory_space<vmem>>
      %run_scoped3A_11 = tpu.sem_alloc : memref<2x!tpu.dma_semaphore, #tpu.memory_space<semaphore_mem>>
      %add3A_12 = arith.constant 0 : i32
      %add3A_13 = arith.addi %add3A_12, %mul3A_6 : i32
      %select_n3A = arith.constant true
      %select_n3A_14 = arith.constant 0 : i32
      %select_n3A_15 = arith.constant -1 : i32
      %select_n3A_16 = arith.select %select_n3A, %select_n3A_15, %select_n3A_14 : i32
      %eq3A = arith.constant -1 : i32
      %eq3A_17 = arith.cmpi eq, %select_n3A_16, %eq3A : i32
      %select_n3A_18 = arith.constant 37 : i32
      %select_n3A_19 = arith.select %eq3A_17, %select_n3A_18, %select_n3A_16 : i32
      %add3A_20 = arith.addi %select_n3A_19, %mul3A_6 : i32
      %select_n3A_21 = arith.constant true
      %select_n3A_22 = arith.constant 0 : i32
      %select_n3A_23 = arith.constant 1 : i32
      %select_n3A_24 = arith.select %select_n3A_21, %select_n3A_23, %select_n3A_22 : i32
      %eq3A_25 = arith.constant 38 : i32
      %eq3A_26 = arith.cmpi eq, %select_n3A_24, %eq3A_25 : i32
      %select_n3A_27 = arith.constant 0 : i32
      %select_n3A_28 = arith.select %eq3A_26, %select_n3A_27, %select_n3A_24 : i32
      %add3A_29 = arith.addi %select_n3A_28, %mul3A_6 : i32
      %add3A_30 = arith.constant 1 : i32
      %add3A_31 = arith.addi %select_n3A_28, %add3A_30 : i32
      %select_n3A_32 = arith.constant true
      %select_n3A_33 = arith.select %select_n3A_32, %add3A_31, %select_n3A_28 : i32
      %eq3A_34 = arith.constant 38 : i32
      %eq3A_35 = arith.cmpi eq, %select_n3A_33, %eq3A_34 : i32
      %select_n3A_36 = arith.constant 0 : i32
      %select_n3A_37 = arith.select %eq3A_35, %select_n3A_36, %select_n3A_33 : i32
      %add3A_38 = arith.addi %select_n3A_37, %mul3A_6 : i32
      "tpu.trace_start"() <{level = 10 : i32, message = "ep_initialize_0"}> : () -> ()
      %rem3A = arith.constant 0 : i32
      %rem3A_39 = arith.constant 2 : i32
      %rem3A_40 = arith.remui %rem3A, %rem3A_39 : i32
      %add3A_41 = arith.constant 832 : i32
      %add3A_42 = arith.addi %add3A_41, %add3A_13 : i32
      %mul3A_43 = arith.constant 4 : i32
      %mul3A_44 = arith.muli %mul3A_43, %add3A_42 : i32
      %dma_start3A = arith.constant 0 : i32
      %dma_start3A_45 = arith.constant 0 : i32
      %dma_start3A_46 = arith.constant 0 : i32
      %dma_start3A_47 = tpu.memref_slice %run_scoped3A[%rem3A_40, %dma_start3A, %dma_start3A_45, %dma_start3A_46] : memref<2x1x4x1024xf32, #tpu.memory_space<vmem>> -> memref<1x1x4x1024xf32, #tpu.memory_space<vmem>>
      %dma_start3A_48 = tpu.memref_squeeze %dma_start3A_47 : memref<1x1x4x1024xf32, #tpu.memory_space<vmem>> -> memref<1x4x1024xf32, #tpu.memory_space<vmem>>
      %dma_start3A_49 = arith.constant 3 : i32
      %dma_start3A_50 = arith.constant 0 : i32
      %dma_start3A_51 = tpu.memref_slice %arg2[%dma_start3A_49, %mul3A_44, %dma_start3A_50] : memref<4x8192x1024xf32, #tpu.memory_space<hbm>> -> memref<1x4x1024xf32, #tpu.memory_space<hbm>>
      %dma_start3A_52 = tpu.memref_slice %run_scoped3A_7[%rem3A_40] : memref<2x!tpu.dma_semaphore, #tpu.memory_space<semaphore_mem>> -> memref<1x!tpu.dma_semaphore, #tpu.memory_space<semaphore_mem>>
      %dma_start3A_53 = tpu.memref_squeeze %dma_start3A_52 : memref<1x!tpu.dma_semaphore, #tpu.memory_space<semaphore_mem>> -> memref<!tpu.dma_semaphore, #tpu.memory_space<semaphore_mem>>
      %dma_start3A_54 = arith.constant 0 : i32
      %dma_start3A_55 = arith.constant 0 : i32
      %dma_start3A_56 = arith.constant 0 : i32
      %dma_start3A_57 = tpu.memref_slice %run_scoped3A[%rem3A_40, %dma_start3A_54, %dma_start3A_55, %dma_start3A_56] : memref<2x1x4x1024xf32, #tpu.memory_space<vmem>> -> memref<1x1x4x1024xf32, #tpu.memory_space<vmem>>
      %dma_start3A_58 = tpu.memref_squeeze %dma_start3A_57 : memref<1x1x4x1024xf32, #tpu.memory_space<vmem>> -> memref<1x4x1024xf32, #tpu.memory_space<vmem>>
      %dma_start3A_59 = arith.constant 3 : i32
      %dma_start3A_60 = arith.constant 0 : i32
      %dma_start3A_61 = tpu.memref_slice %arg2[%dma_start3A_59, %mul3A_44, %dma_start3A_60] : memref<4x8192x1024xf32, #tpu.memory_space<hbm>> -> memref<1x4x1024xf32, #tpu.memory_space<hbm>>
      tpu.enqueue_dma source(%dma_start3A_61 : memref<1x4x1024xf32, #tpu.memory_space<hbm>>) target(%dma_start3A_58 : memref<1x4x1024xf32, #tpu.memory_space<vmem>>) target_semaphore(%dma_start3A_53 : memref<!tpu.dma_semaphore, #tpu.memory_space<semaphore_mem>>)
      %add3A_62 = arith.constant 0 : i32
      %add3A_63 = arith.constant 1 : i32
      %add3A_64 = arith.addi %add3A_62, %add3A_63 : i32
      %select_n3A_65 = arith.constant true
      %select_n3A_66 = arith.constant 0 : i32
      %select_n3A_67 = arith.select %select_n3A_65, %add3A_64, %select_n3A_66 : i32
      %rem3A_68 = arith.constant 0 : i32
      %rem3A_69 = arith.constant 2 : i32
      %rem3A_70 = arith.remui %rem3A_68, %rem3A_69 : i32
      %add3A_71 = arith.constant 832 : i32
      %add3A_72 = arith.addi %add3A_71, %add3A_13 : i32
      %mul3A_73 = arith.constant 4 : i32
      %mul3A_74 = arith.muli %mul3A_73, %add3A_72 : i32
      %dma_start3A_75 = arith.constant 0 : i32
      %dma_start3A_76 = arith.constant 0 : i32
      %dma_start3A_77 = tpu.memref_slice %run_scoped3A_8[%rem3A_70, %dma_start3A_75, %dma_start3A_76] : memref<2x4x1024xf32, #tpu.memory_space<vmem>> -> memref<1x4x1024xf32, #tpu.memory_space<vmem>>
      %dma_start3A_78 = tpu.memref_squeeze %dma_start3A_77 : memref<1x4x1024xf32, #tpu.memory_space<vmem>> -> memref<4x1024xf32, #tpu.memory_space<vmem>>
      %dma_start3A_79 = arith.constant 0 : i32
      %dma_start3A_80 = tpu.memref_slice %arg3[%mul3A_74, %dma_start3A_79] : memref<8192x1024xf32, #tpu.memory_space<hbm>> -> memref<4x1024xf32, #tpu.memory_space<hbm>>
      %dma_start3A_81 = tpu.memref_slice %run_scoped3A_9[%rem3A_70] : memref<2x!tpu.dma_semaphore, #tpu.memory_space<semaphore_mem>> -> memref<1x!tpu.dma_semaphore, #tpu.memory_space<semaphore_mem>>
      %dma_start3A_82 = tpu.memref_squeeze %dma_start3A_81 : memref<1x!tpu.dma_semaphore, #tpu.memory_space<semaphore_mem>> -> memref<!tpu.dma_semaphore, #tpu.memory_space<semaphore_mem>>
      %dma_start3A_83 = arith.constant 0 : i32
      %dma_start3A_84 = arith.constant 0 : i32
      %dma_start3A_85 = tpu.memref_slice %run_scoped3A_8[%rem3A_70, %dma_start3A_83, %dma_start3A_84] : memref<2x4x1024xf32, #tpu.memory_space<vmem>> -> memref<1x4x1024xf32, #tpu.memory_space<vmem>>
      %dma_start3A_86 = tpu.memref_squeeze %dma_start3A_85 : memref<1x4x1024xf32, #tpu.memory_space<vmem>> -> memref<4x1024xf32, #tpu.memory_space<vmem>>
      %dma_start3A_87 = arith.constant 0 : i32
      %dma_start3A_88 = tpu.memref_slice %arg3[%mul3A_74, %dma_start3A_87] : memref<8192x1024xf32, #tpu.memory_space<hbm>> -> memref<4x1024xf32, #tpu.memory_space<hbm>>
      tpu.enqueue_dma source(%dma_start3A_88 : memref<4x1024xf32, #tpu.memory_space<hbm>>) target(%dma_start3A_86 : memref<4x1024xf32, #tpu.memory_space<vmem>>) target_semaphore(%dma_start3A_82 : memref<!tpu.dma_semaphore, #tpu.memory_space<semaphore_mem>>)
      %add3A_89 = arith.constant 0 : i32
      %add3A_90 = arith.constant 1 : i32
      %add3A_91 = arith.addi %add3A_89, %add3A_90 : i32
      %select_n3A_92 = arith.constant true
      %select_n3A_93 = arith.constant 0 : i32
      %select_n3A_94 = arith.select %select_n3A_92, %add3A_91, %select_n3A_93 : i32
      "tpu.trace_stop"() : () -> ()
      %scan3A = arith.constant 0 : i32
      %scan3A_95 = arith.constant 0 : i32
      %scan3A_96 = arith.constant 0 : i32
      %scan3A_97 = arith.constant 0 : i32
      %scan3A_98 = arith.constant 0 : i32
      %scan3A_99 = arith.constant 0 : i32
      %scan3A_100 = arith.constant 38 : i32
      %scan3A_101 = arith.addi %scan3A_99, %scan3A_100 : i32
      %scan3A_102 = arith.constant 1 : i32
      %scan3A_103:7 = scf.for %scan3A_161 = %scan3A_99 to %scan3A_101 step %scan3A_102 iter_args(%scan3A_162 = %select_n3A_67, %scan3A_163 = %scan3A, %scan3A_164 = %select_n3A_94, %scan3A_165 = %scan3A_95, %scan3A_166 = %scan3A_96, %scan3A_167 = %scan3A_97, %scan3A_168 = %scan3A_98) -> (i32, i32, i32, i32, i32, i32, i32)  : i32 {
        %eq3A_169 = arith.constant 0 : i32
        %eq3A_170 = arith.cmpi eq, %scan3A_161, %eq3A_169 : i32
        %eq3A_171 = arith.constant 37 : i32
        %eq3A_172 = arith.cmpi eq, %scan3A_161, %eq3A_171 : i32
        %add3A_173 = arith.addi %scan3A_168, %mul3A_6 : i32
        %sub3A_174 = arith.constant 1 : i32
        %sub3A_175 = arith.subi %scan3A_168, %sub3A_174 : i32
        %select_n3A_176 = arith.constant true
        %select_n3A_177 = arith.select %select_n3A_176, %sub3A_175, %scan3A_168 : i32
        %eq3A_178 = arith.constant -1 : i32
        %eq3A_179 = arith.cmpi eq, %select_n3A_177, %eq3A_178 : i32
        %select_n3A_180 = arith.constant 37 : i32
        %select_n3A_181 = arith.select %eq3A_179, %select_n3A_180, %select_n3A_177 : i32
        %add3A_182 = arith.addi %select_n3A_181, %mul3A_6 : i32
        %add3A_183 = arith.constant 1 : i32
        %add3A_184 = arith.addi %scan3A_168, %add3A_183 : i32
        %select_n3A_185 = arith.constant true
        %select_n3A_186 = arith.select %select_n3A_185, %add3A_184, %scan3A_168 : i32
        %eq3A_187 = arith.constant 38 : i32
        %eq3A_188 = arith.cmpi eq, %select_n3A_186, %eq3A_187 : i32
        %select_n3A_189 = arith.constant 0 : i32
        %select_n3A_190 = arith.select %eq3A_188, %select_n3A_189, %select_n3A_186 : i32
        %add3A_191 = arith.addi %select_n3A_190, %mul3A_6 : i32
        %add3A_192 = arith.constant 1 : i32
        %add3A_193 = arith.addi %select_n3A_190, %add3A_192 : i32
        %select_n3A_194 = arith.constant true
        %select_n3A_195 = arith.select %select_n3A_194, %add3A_193, %select_n3A_190 : i32
        %eq3A_196 = arith.constant 38 : i32
        %eq3A_197 = arith.cmpi eq, %select_n3A_195, %eq3A_196 : i32
        %select_n3A_198 = arith.constant 0 : i32
        %select_n3A_199 = arith.select %eq3A_197, %select_n3A_198, %select_n3A_195 : i32
        %add3A_200 = arith.addi %select_n3A_199, %mul3A_6 : i32
        %add3A_201 = arith.constant 832 : i32
        %add3A_202 = arith.addi %add3A_201, %add3A_173 : i32
        %add3A_203 = arith.constant 832 : i32
        %add3A_204 = arith.addi %add3A_203, %add3A_191 : i32
        %ne3A = arith.cmpi ne, %add3A_202, %add3A_204 : i32
        %or3A = arith.constant false
        %or3A_205 = arith.ori %or3A, %ne3A : i1
        %or3A_206 = arith.constant false
        %or3A_207 = arith.ori %or3A_205, %or3A_206 : i1
        %ge3A = arith.constant 37 : i32
        %ge3A_208 = arith.cmpi sge, %scan3A_161, %ge3A : i32
        %not3A = arith.constant true
        %not3A_209 = arith.xori %ge3A_208, %not3A : i1
        %and3A = arith.andi %or3A_207, %not3A_209 : i1
        %convert_element_type3A = arith.extui %and3A : i1 to i32
        %cond3A = arith.constant 0 : i32
        %cond3A_210 = arith.cmpi ne, %convert_element_type3A, %cond3A : i32
        scf.if %cond3A_210 {
          "tpu.trace_start"() <{level = 10 : i32, message = "ep_copy_in"}> : () -> ()
          %rem3A_422 = arith.constant 2 : i32
          %rem3A_423 = arith.remui %scan3A_162, %rem3A_422 : i32
          %add3A_424 = arith.constant 832 : i32
          %add3A_425 = arith.addi %add3A_424, %add3A_191 : i32
          %mul3A_426 = arith.constant 4 : i32
          %mul3A_427 = arith.muli %mul3A_426, %add3A_425 : i32
          %dma_start3A_428 = arith.constant 0 : i32
          %dma_start3A_429 = arith.constant 0 : i32
          %dma_start3A_430 = arith.constant 0 : i32
          %dma_start3A_431 = tpu.memref_slice %run_scoped3A[%rem3A_423, %dma_start3A_428, %dma_start3A_429, %dma_start3A_430] : memref<2x1x4x1024xf32, #tpu.memory_space<vmem>> -> memref<1x1x4x1024xf32, #tpu.memory_space<vmem>>
          %dma_start3A_432 = tpu.memref_squeeze %dma_start3A_431 : memref<1x1x4x1024xf32, #tpu.memory_space<vmem>> -> memref<1x4x1024xf32, #tpu.memory_space<vmem>>
          %dma_start3A_433 = arith.constant 3 : i32
          %dma_start3A_434 = arith.constant 0 : i32
          %dma_start3A_435 = tpu.memref_slice %arg2[%dma_start3A_433, %mul3A_427, %dma_start3A_434] : memref<4x8192x1024xf32, #tpu.memory_space<hbm>> -> memref<1x4x1024xf32, #tpu.memory_space<hbm>>
          %dma_start3A_436 = tpu.memref_slice %run_scoped3A_7[%rem3A_423] : memref<2x!tpu.dma_semaphore, #tpu.memory_space<semaphore_mem>> -> memref<1x!tpu.dma_semaphore, #tpu.memory_space<semaphore_mem>>
          %dma_start3A_437 = tpu.memref_squeeze %dma_start3A_436 : memref<1x!tpu.dma_semaphore, #tpu.memory_space<semaphore_mem>> -> memref<!tpu.dma_semaphore, #tpu.memory_space<semaphore_mem>>
          %dma_start3A_438 = arith.constant 0 : i32
          %dma_start3A_439 = arith.constant 0 : i32
          %dma_start3A_440 = arith.constant 0 : i32
          %dma_start3A_441 = tpu.memref_slice %run_scoped3A[%rem3A_423, %dma_start3A_438, %dma_start3A_439, %dma_start3A_440] : memref<2x1x4x1024xf32, #tpu.memory_space<vmem>> -> memref<1x1x4x1024xf32, #tpu.memory_space<vmem>>
          %dma_start3A_442 = tpu.memref_squeeze %dma_start3A_441 : memref<1x1x4x1024xf32, #tpu.memory_space<vmem>> -> memref<1x4x1024xf32, #tpu.memory_space<vmem>>
          %dma_start3A_443 = arith.constant 3 : i32
          %dma_start3A_444 = arith.constant 0 : i32
          %dma_start3A_445 = tpu.memref_slice %arg2[%dma_start3A_443, %mul3A_427, %dma_start3A_444] : memref<4x8192x1024xf32, #tpu.memory_space<hbm>> -> memref<1x4x1024xf32, #tpu.memory_space<hbm>>
          tpu.enqueue_dma source(%dma_start3A_445 : memref<1x4x1024xf32, #tpu.memory_space<hbm>>) target(%dma_start3A_442 : memref<1x4x1024xf32, #tpu.memory_space<vmem>>) target_semaphore(%dma_start3A_437 : memref<!tpu.dma_semaphore, #tpu.memory_space<semaphore_mem>>)
          "tpu.trace_stop"() : () -> ()
        } else {
        }
        %and3A_211 = arith.constant true
        %and3A_212 = arith.andi %and3A, %and3A_211 : i1
        %add3A_213 = arith.constant 1 : i32
        %add3A_214 = arith.addi %scan3A_162, %add3A_213 : i32
        %select_n3A_215 = arith.select %and3A_212, %add3A_214, %scan3A_162 : i32
        %add3A_216 = arith.constant 832 : i32
        %add3A_217 = arith.addi %add3A_216, %add3A_173 : i32
        %add3A_218 = arith.constant 832 : i32
        %add3A_219 = arith.addi %add3A_218, %add3A_191 : i32
        %ne3A_220 = arith.cmpi ne, %add3A_217, %add3A_219 : i32
        %or3A_221 = arith.constant false
        %or3A_222 = arith.ori %or3A_221, %ne3A_220 : i1
        %or3A_223 = arith.constant false
        %or3A_224 = arith.ori %or3A_222, %or3A_223 : i1
        %ge3A_225 = arith.constant 37 : i32
        %ge3A_226 = arith.cmpi sge, %scan3A_161, %ge3A_225 : i32
        %not3A_227 = arith.constant true
        %not3A_228 = arith.xori %ge3A_226, %not3A_227 : i1
        %and3A_229 = arith.andi %or3A_224, %not3A_228 : i1
        %convert_element_type3A_230 = arith.extui %and3A_229 : i1 to i32
        %cond3A_231 = arith.constant 0 : i32
        %cond3A_232 = arith.cmpi ne, %convert_element_type3A_230, %cond3A_231 : i32
        scf.if %cond3A_232 {
          "tpu.trace_start"() <{level = 10 : i32, message = "ep_copy_in"}> : () -> ()
          %rem3A_422 = arith.constant 2 : i32
          %rem3A_423 = arith.remui %scan3A_164, %rem3A_422 : i32
          %add3A_424 = arith.constant 832 : i32
          %add3A_425 = arith.addi %add3A_424, %add3A_191 : i32
          %mul3A_426 = arith.constant 4 : i32
          %mul3A_427 = arith.muli %mul3A_426, %add3A_425 : i32
          %dma_start3A_428 = arith.constant 0 : i32
          %dma_start3A_429 = arith.constant 0 : i32
          %dma_start3A_430 = tpu.memref_slice %run_scoped3A_8[%rem3A_423, %dma_start3A_428, %dma_start3A_429] : memref<2x4x1024xf32, #tpu.memory_space<vmem>> -> memref<1x4x1024xf32, #tpu.memory_space<vmem>>
          %dma_start3A_431 = tpu.memref_squeeze %dma_start3A_430 : memref<1x4x1024xf32, #tpu.memory_space<vmem>> -> memref<4x1024xf32, #tpu.memory_space<vmem>>
          %dma_start3A_432 = arith.constant 0 : i32
          %dma_start3A_433 = tpu.memref_slice %arg3[%mul3A_427, %dma_start3A_432] : memref<8192x1024xf32, #tpu.memory_space<hbm>> -> memref<4x1024xf32, #tpu.memory_space<hbm>>
          %dma_start3A_434 = tpu.memref_slice %run_scoped3A_9[%rem3A_423] : memref<2x!tpu.dma_semaphore, #tpu.memory_space<semaphore_mem>> -> memref<1x!tpu.dma_semaphore, #tpu.memory_space<semaphore_mem>>
          %dma_start3A_435 = tpu.memref_squeeze %dma_start3A_434 : memref<1x!tpu.dma_semaphore, #tpu.memory_space<semaphore_mem>> -> memref<!tpu.dma_semaphore, #tpu.memory_space<semaphore_mem>>
          %dma_start3A_436 = arith.constant 0 : i32
          %dma_start3A_437 = arith.constant 0 : i32
          %dma_start3A_438 = tpu.memref_slice %run_scoped3A_8[%rem3A_423, %dma_start3A_436, %dma_start3A_437] : memref<2x4x1024xf32, #tpu.memory_space<vmem>> -> memref<1x4x1024xf32, #tpu.memory_space<vmem>>
          %dma_start3A_439 = tpu.memref_squeeze %dma_start3A_438 : memref<1x4x1024xf32, #tpu.memory_space<vmem>> -> memref<4x1024xf32, #tpu.memory_space<vmem>>
          %dma_start3A_440 = arith.constant 0 : i32
          %dma_start3A_441 = tpu.memref_slice %arg3[%mul3A_427, %dma_start3A_440] : memref<8192x1024xf32, #tpu.memory_space<hbm>> -> memref<4x1024xf32, #tpu.memory_space<hbm>>
          tpu.enqueue_dma source(%dma_start3A_441 : memref<4x1024xf32, #tpu.memory_space<hbm>>) target(%dma_start3A_439 : memref<4x1024xf32, #tpu.memory_space<vmem>>) target_semaphore(%dma_start3A_435 : memref<!tpu.dma_semaphore, #tpu.memory_space<semaphore_mem>>)
          "tpu.trace_stop"() : () -> ()
        } else {
        }
        %and3A_233 = arith.constant true
        %and3A_234 = arith.andi %and3A_229, %and3A_233 : i1
        %add3A_235 = arith.constant 1 : i32
        %add3A_236 = arith.addi %scan3A_164, %add3A_235 : i32
        %select_n3A_237 = arith.select %and3A_234, %add3A_236, %scan3A_164 : i32
        %ne3A_238 = arith.cmpi ne, %add3A_173, %add3A_191 : i32
        %or3A_239 = arith.constant false
        %or3A_240 = arith.ori %or3A_239, %ne3A_238 : i1
        %or3A_241 = arith.constant false
        %or3A_242 = arith.ori %or3A_240, %or3A_241 : i1
        %ge3A_243 = arith.constant 37 : i32
        %ge3A_244 = arith.cmpi sge, %scan3A_161, %ge3A_243 : i32
        %not3A_245 = arith.constant true
        %not3A_246 = arith.xori %ge3A_244, %not3A_245 : i1
        %and3A_247 = arith.andi %or3A_242, %not3A_246 : i1
        %add3A_248 = arith.constant 832 : i32
        %add3A_249 = arith.addi %add3A_248, %add3A_173 : i32
        %add3A_250 = arith.constant 832 : i32
        %add3A_251 = arith.addi %add3A_250, %add3A_182 : i32
        %ne3A_252 = arith.cmpi ne, %add3A_249, %add3A_251 : i32
        %or3A_253 = arith.constant false
        %or3A_254 = arith.ori %or3A_253, %ne3A_252 : i1
        %or3A_255 = arith.constant false
        %or3A_256 = arith.ori %or3A_254, %or3A_255 : i1
        %or3A_257 = arith.ori %or3A_256, %eq3A_170 : i1
        %convert_element_type3A_258 = arith.extui %or3A_257 : i1 to i32
        %cond3A_259 = arith.constant 0 : i32
        %cond3A_260 = arith.cmpi ne, %convert_element_type3A_258, %cond3A_259 : i32
        scf.if %cond3A_260 {
          "tpu.trace_start"() <{level = 10 : i32, message = "ep_wait_in"}> : () -> ()
          %add3A_422 = arith.constant 832 : i32
          %add3A_423 = arith.addi %add3A_422, %add3A_173 : i32
          %mul3A_424 = arith.constant 4 : i32
          %mul3A_425 = arith.muli %mul3A_424, %add3A_423 : i32
          %rem3A_426 = arith.constant 2 : i32
          %rem3A_427 = arith.remui %scan3A_163, %rem3A_426 : i32
          %dma_wait3A_428 = arith.constant 0 : i32
          %dma_wait3A_429 = arith.constant 0 : i32
          %dma_wait3A_430 = arith.constant 0 : i32
          %dma_wait3A_431 = tpu.memref_slice %run_scoped3A[%rem3A_427, %dma_wait3A_428, %dma_wait3A_429, %dma_wait3A_430] : memref<2x1x4x1024xf32, #tpu.memory_space<vmem>> -> memref<1x1x4x1024xf32, #tpu.memory_space<vmem>>
          %dma_wait3A_432 = tpu.memref_squeeze %dma_wait3A_431 : memref<1x1x4x1024xf32, #tpu.memory_space<vmem>> -> memref<1x4x1024xf32, #tpu.memory_space<vmem>>
          %dma_wait3A_433 = arith.constant 3 : i32
          %dma_wait3A_434 = arith.constant 0 : i32
          %dma_wait3A_435 = tpu.memref_slice %arg2[%dma_wait3A_433, %mul3A_425, %dma_wait3A_434] : memref<4x8192x1024xf32, #tpu.memory_space<hbm>> -> memref<1x4x1024xf32, #tpu.memory_space<hbm>>
          %dma_wait3A_436 = tpu.memref_slice %run_scoped3A_7[%rem3A_427] : memref<2x!tpu.dma_semaphore, #tpu.memory_space<semaphore_mem>> -> memref<1x!tpu.dma_semaphore, #tpu.memory_space<semaphore_mem>>
          %dma_wait3A_437 = tpu.memref_squeeze %dma_wait3A_436 : memref<1x!tpu.dma_semaphore, #tpu.memory_space<semaphore_mem>> -> memref<!tpu.dma_semaphore, #tpu.memory_space<semaphore_mem>>
          %dma_wait3A_438 = arith.constant 0 : i32
          %dma_wait3A_439 = arith.constant 0 : i32
          %dma_wait3A_440 = arith.constant 0 : i32
          %dma_wait3A_441 = tpu.memref_slice %run_scoped3A[%rem3A_427, %dma_wait3A_438, %dma_wait3A_439, %dma_wait3A_440] : memref<2x1x4x1024xf32, #tpu.memory_space<vmem>> -> memref<1x1x4x1024xf32, #tpu.memory_space<vmem>>
          %dma_wait3A_442 = tpu.memref_squeeze %dma_wait3A_441 : memref<1x1x4x1024xf32, #tpu.memory_space<vmem>> -> memref<1x4x1024xf32, #tpu.memory_space<vmem>>
          %dma_wait3A_443 = arith.constant 3 : i32
          %dma_wait3A_444 = arith.constant 0 : i32
          %dma_wait3A_445 = tpu.memref_slice %arg2[%dma_wait3A_443, %mul3A_425, %dma_wait3A_444] : memref<4x8192x1024xf32, #tpu.memory_space<hbm>> -> memref<1x4x1024xf32, #tpu.memory_space<hbm>>
          tpu.wait_dma2 semaphore(%dma_wait3A_437 : memref<!tpu.dma_semaphore, #tpu.memory_space<semaphore_mem>>) src(%dma_wait3A_445 : memref<1x4x1024xf32, #tpu.memory_space<hbm>>) dst(%dma_wait3A_442 : memref<1x4x1024xf32, #tpu.memory_space<vmem>>)
          "tpu.trace_stop"() : () -> ()
        } else {
        }
        %add3A_261 = arith.constant 832 : i32
        %add3A_262 = arith.addi %add3A_261, %add3A_173 : i32
        %add3A_263 = arith.constant 832 : i32
        %add3A_264 = arith.addi %add3A_263, %add3A_182 : i32
        %ne3A_265 = arith.cmpi ne, %add3A_262, %add3A_264 : i32
        %or3A_266 = arith.constant false
        %or3A_267 = arith.ori %or3A_266, %ne3A_265 : i1
        %or3A_268 = arith.constant false
        %or3A_269 = arith.ori %or3A_267, %or3A_268 : i1
        %or3A_270 = arith.ori %or3A_269, %eq3A_170 : i1
        %convert_element_type3A_271 = arith.extui %or3A_270 : i1 to i32
        %cond3A_272 = arith.constant 0 : i32
        %cond3A_273 = arith.cmpi ne, %convert_element_type3A_271, %cond3A_272 : i32
        scf.if %cond3A_273 {
          "tpu.trace_start"() <{level = 10 : i32, message = "ep_wait_in"}> : () -> ()
          %add3A_422 = arith.constant 832 : i32
          %add3A_423 = arith.addi %add3A_422, %add3A_173 : i32
          %mul3A_424 = arith.constant 4 : i32
          %mul3A_425 = arith.muli %mul3A_424, %add3A_423 : i32
          %rem3A_426 = arith.constant 2 : i32
          %rem3A_427 = arith.remui %scan3A_165, %rem3A_426 : i32
          %dma_wait3A_428 = arith.constant 0 : i32
          %dma_wait3A_429 = arith.constant 0 : i32
          %dma_wait3A_430 = tpu.memref_slice %run_scoped3A_8[%rem3A_427, %dma_wait3A_428, %dma_wait3A_429] : memref<2x4x1024xf32, #tpu.memory_space<vmem>> -> memref<1x4x1024xf32, #tpu.memory_space<vmem>>
          %dma_wait3A_431 = tpu.memref_squeeze %dma_wait3A_430 : memref<1x4x1024xf32, #tpu.memory_space<vmem>> -> memref<4x1024xf32, #tpu.memory_space<vmem>>
          %dma_wait3A_432 = arith.constant 0 : i32
          %dma_wait3A_433 = tpu.memref_slice %arg3[%mul3A_425, %dma_wait3A_432] : memref<8192x1024xf32, #tpu.memory_space<hbm>> -> memref<4x1024xf32, #tpu.memory_space<hbm>>
          %dma_wait3A_434 = tpu.memref_slice %run_scoped3A_9[%rem3A_427] : memref<2x!tpu.dma_semaphore, #tpu.memory_space<semaphore_mem>> -> memref<1x!tpu.dma_semaphore, #tpu.memory_space<semaphore_mem>>
          %dma_wait3A_435 = tpu.memref_squeeze %dma_wait3A_434 : memref<1x!tpu.dma_semaphore, #tpu.memory_space<semaphore_mem>> -> memref<!tpu.dma_semaphore, #tpu.memory_space<semaphore_mem>>
          %dma_wait3A_436 = arith.constant 0 : i32
          %dma_wait3A_437 = arith.constant 0 : i32
          %dma_wait3A_438 = tpu.memref_slice %run_scoped3A_8[%rem3A_427, %dma_wait3A_436, %dma_wait3A_437] : memref<2x4x1024xf32, #tpu.memory_space<vmem>> -> memref<1x4x1024xf32, #tpu.memory_space<vmem>>
          %dma_wait3A_439 = tpu.memref_squeeze %dma_wait3A_438 : memref<1x4x1024xf32, #tpu.memory_space<vmem>> -> memref<4x1024xf32, #tpu.memory_space<vmem>>
          %dma_wait3A_440 = arith.constant 0 : i32
          %dma_wait3A_441 = tpu.memref_slice %arg3[%mul3A_425, %dma_wait3A_440] : memref<8192x1024xf32, #tpu.memory_space<hbm>> -> memref<4x1024xf32, #tpu.memory_space<hbm>>
          tpu.wait_dma2 semaphore(%dma_wait3A_435 : memref<!tpu.dma_semaphore, #tpu.memory_space<semaphore_mem>>) src(%dma_wait3A_441 : memref<4x1024xf32, #tpu.memory_space<hbm>>) dst(%dma_wait3A_439 : memref<4x1024xf32, #tpu.memory_space<vmem>>)
          "tpu.trace_stop"() : () -> ()
        } else {
        }
        %ne3A_274 = arith.cmpi ne, %add3A_173, %add3A_182 : i32
        %or3A_275 = arith.constant false
        %or3A_276 = arith.ori %or3A_275, %ne3A_274 : i1
        %or3A_277 = arith.constant false
        %or3A_278 = arith.ori %or3A_276, %or3A_277 : i1
        %or3A_279 = arith.ori %or3A_278, %eq3A_170 : i1
        %convert_element_type3A_280 = arith.extui %or3A_279 : i1 to i32
        %cond3A_281 = arith.constant 0 : i32
        %cond3A_282 = arith.cmpi ne, %convert_element_type3A_280, %cond3A_281 : i32
        scf.if %cond3A_282 {
        } else {
        }
        %rem3A_283 = arith.constant 2 : i32
        %rem3A_284 = arith.remui %scan3A_163, %rem3A_283 : i32
        %rem3A_285 = arith.constant 2 : i32
        %rem3A_286 = arith.remui %scan3A_165, %rem3A_285 : i32
        %rem3A_287 = arith.constant 2 : i32
        %rem3A_288 = arith.remui %scan3A_166, %rem3A_287 : i32
        "tpu.trace_start"() <{level = 10 : i32, message = "ep_run_kernel"}> : () -> ()
        %scan3A_289 = arith.constant 0 : i32
        %scan3A_290 = arith.constant 4 : i32
        %scan3A_291 = arith.addi %scan3A_289, %scan3A_290 : i32
        %scan3A_292 = arith.constant 1 : i32
        scf.for %scan3A_422 = %scan3A_289 to %scan3A_291 step %scan3A_292  : i32 {
          %mul3A_423 = arith.constant 1 : i32
          %mul3A_424 = arith.muli %scan3A_422, %mul3A_423 : i32
          %add3A_425 = arith.constant 0 : i32
          %add3A_426 = arith.addi %add3A_425, %mul3A_424 : i32
          %scan3A_427 = arith.constant 0 : i32
          %scan3A_428 = arith.constant 16 : i32
          %scan3A_429 = arith.addi %scan3A_427, %scan3A_428 : i32
          %scan3A_430 = arith.constant 1 : i32
          scf.for %scan3A_432 = %scan3A_427 to %scan3A_429 step %scan3A_430  : i32 {
            %mul3A_433 = arith.constant 64 : i32
            %mul3A_434 = arith.muli %scan3A_432, %mul3A_433 : i32
            %add3A_435 = arith.constant 0 : i32
            %add3A_436 = arith.addi %add3A_435, %mul3A_434 : i32
            %add3A_437 = arith.constant 0 : i32
            %add3A_438 = arith.addi %add3A_436, %add3A_437 : i32
            %get3A = arith.constant 0 : i32
            %get3A_439 = arith.constant 0 : i32
            %get3A_440 = arith.constant 0 : i32
            %get3A_441 = arith.constant 0 : i32
            %get3A_442 = tpu.memref_slice %run_scoped3A[%rem3A_284, %get3A_439, %get3A_440, %get3A_441] : memref<2x1x4x1024xf32, #tpu.memory_space<vmem>> -> memref<1x1x4x1024xf32, #tpu.memory_space<vmem>>
            %get3A_443 = tpu.memref_squeeze %get3A_442 : memref<1x1x4x1024xf32, #tpu.memory_space<vmem>> -> memref<1x4x1024xf32, #tpu.memory_space<vmem>>
            %get3A_444 = arith.index_cast %get3A : i32 to index
            %get3A_445 = arith.index_cast %add3A_426 : i32 to index
            %get3A_446 = arith.index_cast %add3A_438 : i32 to index
            %get3A_447 = tpu.vector_load %get3A_443[%get3A_444, %get3A_445, %get3A_446] {strides = array<i32>} : memref<1x4x1024xf32, #tpu.memory_space<vmem>>, vector<1x1x16xf32>,
            %get3A_448 = vector.shape_cast %get3A_447 : vector<1x1x16xf32> to vector<16xf32>
            %get3A_449 = arith.constant 0 : i32
            %get3A_450 = arith.constant 0 : i32
            %get3A_451 = tpu.memref_slice %run_scoped3A_8[%rem3A_286, %get3A_449, %get3A_450] : memref<2x4x1024xf32, #tpu.memory_space<vmem>> -> memref<1x4x1024xf32, #tpu.memory_space<vmem>>
            %get3A_452 = tpu.memref_squeeze %get3A_451 : memref<1x4x1024xf32, #tpu.memory_space<vmem>> -> memref<4x1024xf32, #tpu.memory_space<vmem>>
            %get3A_453 = arith.index_cast %add3A_426 : i32 to index
            %get3A_454 = arith.index_cast %add3A_438 : i32 to index
            %get3A_455 = tpu.vector_load %get3A_452[%get3A_453, %get3A_454] {strides = array<i32>} : memref<4x1024xf32, #tpu.memory_space<vmem>>, vector<1x16xf32>,
            %get3A_456 = vector.shape_cast %get3A_455 : vector<1x16xf32> to vector<16xf32>
            %add3A_457 = arith.addf %get3A_448, %get3A_456 : vector<16xf32>
            %swap3A = arith.constant 0 : i32
            %swap3A_458 = arith.constant 0 : i32
            %swap3A_459 = arith.constant 0 : i32
            %swap3A_460 = arith.constant 0 : i32
            %swap3A_461 = tpu.memref_slice %run_scoped3A_10[%rem3A_288, %swap3A_458, %swap3A_459, %swap3A_460] : memref<2x1x4x1024xf32, #tpu.memory_space<vmem>> -> memref<1x1x4x1024xf32, #tpu.memory_space<vmem>>
            %swap3A_462 = tpu.memref_squeeze %swap3A_461 : memref<1x1x4x1024xf32, #tpu.memory_space<vmem>> -> memref<1x4x1024xf32, #tpu.memory_space<vmem>>
            %swap3A_463 = arith.index_cast %swap3A : i32 to index
            %swap3A_464 = arith.index_cast %add3A_426 : i32 to index
            %swap3A_465 = arith.index_cast %add3A_438 : i32 to index
            %swap3A_466 = tpu.vector_load %swap3A_462[%swap3A_463, %swap3A_464, %swap3A_465] {strides = array<i32>} : memref<1x4x1024xf32, #tpu.memory_space<vmem>>, vector<1x1x16xf32>,
            %swap3A_467 = vector.shape_cast %swap3A_466 : vector<1x1x16xf32> to vector<16xf32>
            %swap3A_468 = vector.shape_cast %add3A_457 : vector<16xf32> to vector<1x1x16xf32>
            tpu.vector_store %swap3A_462[%swap3A_463, %swap3A_464, %swap3A_465], %swap3A_468 {strides = array<i32>} : memref<1x4x1024xf32, #tpu.memory_space<vmem>>, vector<1x1x16xf32>,
            %add3A_469 = arith.constant 16 : i32
            %add3A_470 = arith.addi %add3A_436, %add3A_469 : i32
            %get3A_471 = arith.constant 0 : i32
            %get3A_472 = arith.constant 0 : i32
            %get3A_473 = arith.constant 0 : i32
            %get3A_474 = arith.constant 0 : i32
            %get3A_475 = tpu.memref_slice %run_scoped3A[%rem3A_284, %get3A_472, %get3A_473, %get3A_474] : memref<2x1x4x1024xf32, #tpu.memory_space<vmem>> -> memref<1x1x4x1024xf32, #tpu.memory_space<vmem>>
            %get3A_476 = tpu.memref_squeeze %get3A_475 : memref<1x1x4x1024xf32, #tpu.memory_space<vmem>> -> memref<1x4x1024xf32, #tpu.memory_space<vmem>>
            %get3A_477 = arith.index_cast %get3A_471 : i32 to index
            %get3A_478 = arith.index_cast %add3A_426 : i32 to index
            %get3A_479 = arith.index_cast %add3A_470 : i32 to index
            %get3A_480 = tpu.vector_load %get3A_476[%get3A_477, %get3A_478, %get3A_479] {strides = array<i32>} : memref<1x4x1024xf32, #tpu.memory_space<vmem>>, vector<1x1x16xf32>,
            %get3A_481 = vector.shape_cast %get3A_480 : vector<1x1x16xf32> to vector<16xf32>
            %get3A_482 = arith.constant 0 : i32
            %get3A_483 = arith.constant 0 : i32
            %get3A_484 = tpu.memref_slice %run_scoped3A_8[%rem3A_286, %get3A_482, %get3A_483] : memref<2x4x1024xf32, #tpu.memory_space<vmem>> -> memref<1x4x1024xf32, #tpu.memory_space<vmem>>
            %get3A_485 = tpu.memref_squeeze %get3A_484 : memref<1x4x1024xf32, #tpu.memory_space<vmem>> -> memref<4x1024xf32, #tpu.memory_space<vmem>>
            %get3A_486 = arith.index_cast %add3A_426 : i32 to index
            %get3A_487 = arith.index_cast %add3A_470 : i32 to index
            %get3A_488 = tpu.vector_load %get3A_485[%get3A_486, %get3A_487] {strides = array<i32>} : memref<4x1024xf32, #tpu.memory_space<vmem>>, vector<1x16xf32>,
            %get3A_489 = vector.shape_cast %get3A_488 : vector<1x16xf32> to vector<16xf32>
            %add3A_490 = arith.addf %get3A_481, %get3A_489 : vector<16xf32>
            %swap3A_491 = arith.constant 0 : i32
            %swap3A_492 = arith.constant 0 : i32
            %swap3A_493 = arith.constant 0 : i32
            %swap3A_494 = arith.constant 0 : i32
            %swap3A_495 = tpu.memref_slice %run_scoped3A_10[%rem3A_288, %swap3A_492, %swap3A_493, %swap3A_494] : memref<2x1x4x1024xf32, #tpu.memory_space<vmem>> -> memref<1x1x4x1024xf32, #tpu.memory_space<vmem>>
            %swap3A_496 = tpu.memref_squeeze %swap3A_495 : memref<1x1x4x1024xf32, #tpu.memory_space<vmem>> -> memref<1x4x1024xf32, #tpu.memory_space<vmem>>
            %swap3A_497 = arith.index_cast %swap3A_491 : i32 to index
            %swap3A_498 = arith.index_cast %add3A_426 : i32 to index
            %swap3A_499 = arith.index_cast %add3A_470 : i32 to index
            %swap3A_500 = tpu.vector_load %swap3A_496[%swap3A_497, %swap3A_498, %swap3A_499] {strides = array<i32>} : memref<1x4x1024xf32, #tpu.memory_space<vmem>>, vector<1x1x16xf32>,
            %swap3A_501 = vector.shape_cast %swap3A_500 : vector<1x1x16xf32> to vector<16xf32>
            %swap3A_502 = vector.shape_cast %add3A_490 : vector<16xf32> to vector<1x1x16xf32>
            tpu.vector_store %swap3A_496[%swap3A_497, %swap3A_498, %swap3A_499], %swap3A_502 {strides = array<i32>} : memref<1x4x1024xf32, #tpu.memory_space<vmem>>, vector<1x1x16xf32>,
            %add3A_503 = arith.constant 32 : i32
            %add3A_504 = arith.addi %add3A_436, %add3A_503 : i32
            %get3A_505 = arith.constant 0 : i32
            %get3A_506 = arith.constant 0 : i32
            %get3A_507 = arith.constant 0 : i32
            %get3A_508 = arith.constant 0 : i32
            %get3A_509 = tpu.memref_slice %run_scoped3A[%rem3A_284, %get3A_506, %get3A_507, %get3A_508] : memref<2x1x4x1024xf32, #tpu.memory_space<vmem>> -> memref<1x1x4x1024xf32, #tpu.memory_space<vmem>>
            %get3A_510 = tpu.memref_squeeze %get3A_509 : memref<1x1x4x1024xf32, #tpu.memory_space<vmem>> -> memref<1x4x1024xf32, #tpu.memory_space<vmem>>
            %get3A_511 = arith.index_cast %get3A_505 : i32 to index
            %get3A_512 = arith.index_cast %add3A_426 : i32 to index
            %get3A_513 = arith.index_cast %add3A_504 : i32 to index
            %get3A_514 = tpu.vector_load %get3A_510[%get3A_511, %get3A_512, %get3A_513] {strides = array<i32>} : memref<1x4x1024xf32, #tpu.memory_space<vmem>>, vector<1x1x16xf32>,
            %get3A_515 = vector.shape_cast %get3A_514 : vector<1x1x16xf32> to vector<16xf32>
            %get3A_516 = arith.constant 0 : i32
            %get3A_517 = arith.constant 0 : i32
            %get3A_518 = tpu.memref_slice %run_scoped3A_8[%rem3A_286, %get3A_516, %get3A_517] : memref<2x4x1024xf32, #tpu.memory_space<vmem>> -> memref<1x4x1024xf32, #tpu.memory_space<vmem>>
            %get3A_519 = tpu.memref_squeeze %get3A_518 : memref<1x4x1024xf32, #tpu.memory_space<vmem>> -> memref<4x1024xf32, #tpu.memory_space<vmem>>
            %get3A_520 = arith.index_cast %add3A_426 : i32 to index
            %get3A_521 = arith.index_cast %add3A_504 : i32 to index
            %get3A_522 = tpu.vector_load %get3A_519[%get3A_520, %get3A_521] {strides = array<i32>} : memref<4x1024xf32, #tpu.memory_space<vmem>>, vector<1x16xf32>,
            %get3A_523 = vector.shape_cast %get3A_522 : vector<1x16xf32> to vector<16xf32>
            %add3A_524 = arith.addf %get3A_515, %get3A_523 : vector<16xf32>
            %swap3A_525 = arith.constant 0 : i32
            %swap3A_526 = arith.constant 0 : i32
            %swap3A_527 = arith.constant 0 : i32
            %swap3A_528 = arith.constant 0 : i32
            %swap3A_529 = tpu.memref_slice %run_scoped3A_10[%rem3A_288, %swap3A_526, %swap3A_527, %swap3A_528] : memref<2x1x4x1024xf32, #tpu.memory_space<vmem>> -> memref<1x1x4x1024xf32, #tpu.memory_space<vmem>>
            %swap3A_530 = tpu.memref_squeeze %swap3A_529 : memref<1x1x4x1024xf32, #tpu.memory_space<vmem>> -> memref<1x4x1024xf32, #tpu.memory_space<vmem>>
            %swap3A_531 = arith.index_cast %swap3A_525 : i32 to index
            %swap3A_532 = arith.index_cast %add3A_426 : i32 to index
            %swap3A_533 = arith.index_cast %add3A_504 : i32 to index
            %swap3A_534 = tpu.vector_load %swap3A_530[%swap3A_531, %swap3A_532, %swap3A_533] {strides = array<i32>} : memref<1x4x1024xf32, #tpu.memory_space<vmem>>, vector<1x1x16xf32>,
            %swap3A_535 = vector.shape_cast %swap3A_534 : vector<1x1x16xf32> to vector<16xf32>
            %swap3A_536 = vector.shape_cast %add3A_524 : vector<16xf32> to vector<1x1x16xf32>
            tpu.vector_store %swap3A_530[%swap3A_531, %swap3A_532, %swap3A_533], %swap3A_536 {strides = array<i32>} : memref<1x4x1024xf32, #tpu.memory_space<vmem>>, vector<1x1x16xf32>,
            %add3A_537 = arith.constant 48 : i32
            %add3A_538 = arith.addi %add3A_436, %add3A_537 : i32
            %get3A_539 = arith.constant 0 : i32
            %get3A_540 = arith.constant 0 : i32
            %get3A_541 = arith.constant 0 : i32
            %get3A_542 = arith.constant 0 : i32
            %get3A_543 = tpu.memref_slice %run_scoped3A[%rem3A_284, %get3A_540, %get3A_541, %get3A_542] : memref<2x1x4x1024xf32, #tpu.memory_space<vmem>> -> memref<1x1x4x1024xf32, #tpu.memory_space<vmem>>
            %get3A_544 = tpu.memref_squeeze %get3A_543 : memref<1x1x4x1024xf32, #tpu.memory_space<vmem>> -> memref<1x4x1024xf32, #tpu.memory_space<vmem>>
            %get3A_545 = arith.index_cast %get3A_539 : i32 to index
            %get3A_546 = arith.index_cast %add3A_426 : i32 to index
            %get3A_547 = arith.index_cast %add3A_538 : i32 to index
            %get3A_548 = tpu.vector_load %get3A_544[%get3A_545, %get3A_546, %get3A_547] {strides = array<i32>} : memref<1x4x1024xf32, #tpu.memory_space<vmem>>, vector<1x1x16xf32>,
            %get3A_549 = vector.shape_cast %get3A_548 : vector<1x1x16xf32> to vector<16xf32>
            %get3A_550 = arith.constant 0 : i32
            %get3A_551 = arith.constant 0 : i32
            %get3A_552 = tpu.memref_slice %run_scoped3A_8[%rem3A_286, %get3A_550, %get3A_551] : memref<2x4x1024xf32, #tpu.memory_space<vmem>> -> memref<1x4x1024xf32, #tpu.memory_space<vmem>>
            %get3A_553 = tpu.memref_squeeze %get3A_552 : memref<1x4x1024xf32, #tpu.memory_space<vmem>> -> memref<4x1024xf32, #tpu.memory_space<vmem>>
            %get3A_554 = arith.index_cast %add3A_426 : i32 to index
            %get3A_555 = arith.index_cast %add3A_538 : i32 to index
            %get3A_556 = tpu.vector_load %get3A_553[%get3A_554, %get3A_555] {strides = array<i32>} : memref<4x1024xf32, #tpu.memory_space<vmem>>, vector<1x16xf32>,
            %get3A_557 = vector.shape_cast %get3A_556 : vector<1x16xf32> to vector<16xf32>
            %add3A_558 = arith.addf %get3A_549, %get3A_557 : vector<16xf32>
            %swap3A_559 = arith.constant 0 : i32
            %swap3A_560 = arith.constant 0 : i32
            %swap3A_561 = arith.constant 0 : i32
            %swap3A_562 = arith.constant 0 : i32
            %swap3A_563 = tpu.memref_slice %run_scoped3A_10[%rem3A_288, %swap3A_560, %swap3A_561, %swap3A_562] : memref<2x1x4x1024xf32, #tpu.memory_space<vmem>> -> memref<1x1x4x1024xf32, #tpu.memory_space<vmem>>
            %swap3A_564 = tpu.memref_squeeze %swap3A_563 : memref<1x1x4x1024xf32, #tpu.memory_space<vmem>> -> memref<1x4x1024xf32, #tpu.memory_space<vmem>>
            %swap3A_565 = arith.index_cast %swap3A_559 : i32 to index
            %swap3A_566 = arith.index_cast %add3A_426 : i32 to index
            %swap3A_567 = arith.index_cast %add3A_538 : i32 to index
            %swap3A_568 = tpu.vector_load %swap3A_564[%swap3A_565, %swap3A_566, %swap3A_567] {strides = array<i32>} : memref<1x4x1024xf32, #tpu.memory_space<vmem>>, vector<1x1x16xf32>,
            %swap3A_569 = vector.shape_cast %swap3A_568 : vector<1x1x16xf32> to vector<16xf32>
            %swap3A_570 = vector.shape_cast %add3A_558 : vector<16xf32> to vector<1x1x16xf32>
            tpu.vector_store %swap3A_564[%swap3A_565, %swap3A_566, %swap3A_567], %swap3A_570 {strides = array<i32>} : memref<1x4x1024xf32, #tpu.memory_space<vmem>>, vector<1x1x16xf32>,
          }
          %scan3A_431 = arith.constant 16 : i32
        }
        %scan3A_293 = arith.constant 4 : i32
        "tpu.trace_stop"() : () -> ()
        %add3A_294 = arith.constant 832 : i32
        %add3A_295 = arith.addi %add3A_294, %add3A_173 : i32
        %add3A_296 = arith.constant 832 : i32
        %add3A_297 = arith.addi %add3A_296, %add3A_191 : i32
        %ne3A_298 = arith.cmpi ne, %add3A_295, %add3A_297 : i32
        %or3A_299 = arith.constant false
        %or3A_300 = arith.ori %or3A_299, %ne3A_298 : i1
        %or3A_301 = arith.constant false
        %or3A_302 = arith.ori %or3A_300, %or3A_301 : i1
        %or3A_303 = arith.ori %or3A_302, %eq3A_172 : i1
        %convert_element_type3A_304 = arith.extui %or3A_303 : i1 to i32
        %cond3A_305 = arith.constant 0 : i32
        %cond3A_306 = arith.cmpi ne, %convert_element_type3A_304, %cond3A_305 : i32
        scf.if %cond3A_306 {
        } else {
        }
        %and3A_307 = arith.constant false
        %and3A_308 = arith.andi %or3A_303, %and3A_307 : i1
        %add3A_309 = arith.constant 832 : i32
        %add3A_310 = arith.addi %add3A_309, %add3A_173 : i32
        %add3A_311 = arith.constant 832 : i32
        %add3A_312 = arith.addi %add3A_311, %add3A_191 : i32
        %ne3A_313 = arith.cmpi ne, %add3A_310, %add3A_312 : i32
        %or3A_314 = arith.constant false
        %or3A_315 = arith.ori %or3A_314, %ne3A_313 : i1
        %or3A_316 = arith.constant false
        %or3A_317 = arith.ori %or3A_315, %or3A_316 : i1
        %or3A_318 = arith.ori %or3A_317, %eq3A_172 : i1
        %convert_element_type3A_319 = arith.extui %or3A_318 : i1 to i32
        %cond3A_320 = arith.constant 0 : i32
        %cond3A_321 = arith.cmpi ne, %convert_element_type3A_319, %cond3A_320 : i32
        scf.if %cond3A_321 {
        } else {
        }
        %and3A_322 = arith.constant false
        %and3A_323 = arith.andi %or3A_318, %and3A_322 : i1
        %ne3A_324 = arith.cmpi ne, %add3A_173, %add3A_191 : i32
        %or3A_325 = arith.constant false
        %or3A_326 = arith.ori %or3A_325, %ne3A_324 : i1
        %or3A_327 = arith.constant false
        %or3A_328 = arith.ori %or3A_326, %or3A_327 : i1
        %or3A_329 = arith.ori %or3A_328, %eq3A_172 : i1
        %convert_element_type3A_330 = arith.extui %or3A_329 : i1 to i32
        %cond3A_331 = arith.constant 0 : i32
        %cond3A_332 = arith.cmpi ne, %convert_element_type3A_330, %cond3A_331 : i32
        scf.if %cond3A_332 {
          "tpu.trace_start"() <{level = 10 : i32, message = "ep_copy_out"}> : () -> ()
          %rem3A_422 = arith.constant 2 : i32
          %rem3A_423 = arith.remui %scan3A_166, %rem3A_422 : i32
          %mul3A_424 = arith.constant 4 : i32
          %mul3A_425 = arith.muli %mul3A_424, %add3A_173 : i32
          %dma_start3A_426 = arith.constant 0 : i32
          %dma_start3A_427 = arith.constant 0 : i32
          %dma_start3A_428 = arith.constant 0 : i32
          %dma_start3A_429 = tpu.memref_slice %run_scoped3A_10[%rem3A_423, %dma_start3A_426, %dma_start3A_427, %dma_start3A_428] : memref<2x1x4x1024xf32, #tpu.memory_space<vmem>> -> memref<1x1x4x1024xf32, #tpu.memory_space<vmem>>
          %dma_start3A_430 = tpu.memref_squeeze %dma_start3A_429 : memref<1x1x4x1024xf32, #tpu.memory_space<vmem>> -> memref<1x4x1024xf32, #tpu.memory_space<vmem>>
          %dma_start3A_431 = arith.constant 0 : i32
          %dma_start3A_432 = arith.constant 0 : i32
          %dma_start3A_433 = tpu.memref_slice %arg4[%dma_start3A_431, %mul3A_425, %dma_start3A_432] : memref<1x4864x1024xf32, #tpu.memory_space<hbm>> -> memref<1x4x1024xf32, #tpu.memory_space<hbm>>
          %dma_start3A_434 = tpu.memref_slice %run_scoped3A_11[%rem3A_423] : memref<2x!tpu.dma_semaphore, #tpu.memory_space<semaphore_mem>> -> memref<1x!tpu.dma_semaphore, #tpu.memory_space<semaphore_mem>>
          %dma_start3A_435 = tpu.memref_squeeze %dma_start3A_434 : memref<1x!tpu.dma_semaphore, #tpu.memory_space<semaphore_mem>> -> memref<!tpu.dma_semaphore, #tpu.memory_space<semaphore_mem>>
          %dma_start3A_436 = arith.constant 0 : i32
          %dma_start3A_437 = arith.constant 0 : i32
          %dma_start3A_438 = tpu.memref_slice %arg4[%dma_start3A_436, %mul3A_425, %dma_start3A_437] : memref<1x4864x1024xf32, #tpu.memory_space<hbm>> -> memref<1x4x1024xf32, #tpu.memory_space<hbm>>
          %dma_start3A_439 = arith.constant 0 : i32
          %dma_start3A_440 = arith.constant 0 : i32
          %dma_start3A_441 = arith.constant 0 : i32
          %dma_start3A_442 = tpu.memref_slice %run_scoped3A_10[%rem3A_423, %dma_start3A_439, %dma_start3A_440, %dma_start3A_441] : memref<2x1x4x1024xf32, #tpu.memory_space<vmem>> -> memref<1x1x4x1024xf32, #tpu.memory_space<vmem>>
          %dma_start3A_443 = tpu.memref_squeeze %dma_start3A_442 : memref<1x1x4x1024xf32, #tpu.memory_space<vmem>> -> memref<1x4x1024xf32, #tpu.memory_space<vmem>>
          tpu.enqueue_dma source(%dma_start3A_443 : memref<1x4x1024xf32, #tpu.memory_space<vmem>>) target(%dma_start3A_438 : memref<1x4x1024xf32, #tpu.memory_space<hbm>>) target_semaphore(%dma_start3A_435 : memref<!tpu.dma_semaphore, #tpu.memory_space<semaphore_mem>>)
          "tpu.trace_stop"() : () -> ()
        } else {
        }
        %and3A_333 = arith.constant true
        %and3A_334 = arith.andi %or3A_329, %and3A_333 : i1
        %add3A_335 = arith.constant 1 : i32
        %add3A_336 = arith.addi %scan3A_166, %add3A_335 : i32
        %select_n3A_337 = arith.select %and3A_334, %add3A_336, %scan3A_166 : i32
        %add3A_338 = arith.constant 832 : i32
        %add3A_339 = arith.addi %add3A_338, %add3A_173 : i32
        %add3A_340 = arith.constant 832 : i32
        %add3A_341 = arith.addi %add3A_340, %add3A_182 : i32
        %ne3A_342 = arith.cmpi ne, %add3A_339, %add3A_341 : i32
        %or3A_343 = arith.constant false
        %or3A_344 = arith.ori %or3A_343, %ne3A_342 : i1
        %or3A_345 = arith.constant false
        %or3A_346 = arith.ori %or3A_344, %or3A_345 : i1
        %not3A_347 = arith.constant true
        %not3A_348 = arith.xori %eq3A_170, %not3A_347 : i1
        %and3A_349 = arith.andi %or3A_346, %not3A_348 : i1
        %convert_element_type3A_350 = arith.extui %and3A_349 : i1 to i32
        %cond3A_351 = arith.constant 0 : i32
        %cond3A_352 = arith.cmpi ne, %convert_element_type3A_350, %cond3A_351 : i32
        scf.if %cond3A_352 {
        } else {
        }
        %and3A_353 = arith.constant false
        %and3A_354 = arith.andi %and3A_349, %and3A_353 : i1
        %add3A_355 = arith.constant 832 : i32
        %add3A_356 = arith.addi %add3A_355, %add3A_173 : i32
        %add3A_357 = arith.constant 832 : i32
        %add3A_358 = arith.addi %add3A_357, %add3A_182 : i32
        %ne3A_359 = arith.cmpi ne, %add3A_356, %add3A_358 : i32
        %or3A_360 = arith.constant false
        %or3A_361 = arith.ori %or3A_360, %ne3A_359 : i1
        %or3A_362 = arith.constant false
        %or3A_363 = arith.ori %or3A_361, %or3A_362 : i1
        %not3A_364 = arith.constant true
        %not3A_365 = arith.xori %eq3A_170, %not3A_364 : i1
        %and3A_366 = arith.andi %or3A_363, %not3A_365 : i1
        %convert_element_type3A_367 = arith.extui %and3A_366 : i1 to i32
        %cond3A_368 = arith.constant 0 : i32
        %cond3A_369 = arith.cmpi ne, %convert_element_type3A_367, %cond3A_368 : i32
        scf.if %cond3A_369 {
        } else {
        }
        %and3A_370 = arith.constant false
        %and3A_371 = arith.andi %and3A_366, %and3A_370 : i1
        %ne3A_372 = arith.cmpi ne, %add3A_173, %add3A_182 : i32
        %or3A_373 = arith.constant false
        %or3A_374 = arith.ori %or3A_373, %ne3A_372 : i1
        %or3A_375 = arith.constant false
        %or3A_376 = arith.ori %or3A_374, %or3A_375 : i1
        %not3A_377 = arith.constant true
        %not3A_378 = arith.xori %eq3A_170, %not3A_377 : i1
        %and3A_379 = arith.andi %or3A_376, %not3A_378 : i1
        %convert_element_type3A_380 = arith.extui %and3A_379 : i1 to i32
        %cond3A_381 = arith.constant 0 : i32
        %cond3A_382 = arith.cmpi ne, %convert_element_type3A_380, %cond3A_381 : i32
        scf.if %cond3A_382 {
          "tpu.trace_start"() <{level = 10 : i32, message = "ep_wait_out"}> : () -> ()
          %rem3A_422 = arith.constant 2 : i32
          %rem3A_423 = arith.remui %scan3A_167, %rem3A_422 : i32
          %mul3A_424 = arith.constant 4 : i32
          %mul3A_425 = arith.muli %mul3A_424, %add3A_182 : i32
          %dma_wait3A_426 = arith.constant 0 : i32
          %dma_wait3A_427 = arith.constant 0 : i32
          %dma_wait3A_428 = arith.constant 0 : i32
          %dma_wait3A_429 = tpu.memref_slice %run_scoped3A_10[%rem3A_423, %dma_wait3A_426, %dma_wait3A_427, %dma_wait3A_428] : memref<2x1x4x1024xf32, #tpu.memory_space<vmem>> -> memref<1x1x4x1024xf32, #tpu.memory_space<vmem>>
          %dma_wait3A_430 = tpu.memref_squeeze %dma_wait3A_429 : memref<1x1x4x1024xf32, #tpu.memory_space<vmem>> -> memref<1x4x1024xf32, #tpu.memory_space<vmem>>
          %dma_wait3A_431 = arith.constant 0 : i32
          %dma_wait3A_432 = arith.constant 0 : i32
          %dma_wait3A_433 = tpu.memref_slice %arg4[%dma_wait3A_431, %mul3A_425, %dma_wait3A_432] : memref<1x4864x1024xf32, #tpu.memory_space<hbm>> -> memref<1x4x1024xf32, #tpu.memory_space<hbm>>
          %dma_wait3A_434 = tpu.memref_slice %run_scoped3A_11[%rem3A_423] : memref<2x!tpu.dma_semaphore, #tpu.memory_space<semaphore_mem>> -> memref<1x!tpu.dma_semaphore, #tpu.memory_space<semaphore_mem>>
          %dma_wait3A_435 = tpu.memref_squeeze %dma_wait3A_434 : memref<1x!tpu.dma_semaphore, #tpu.memory_space<semaphore_mem>> -> memref<!tpu.dma_semaphore, #tpu.memory_space<semaphore_mem>>
          %dma_wait3A_436 = arith.constant 0 : i32
          %dma_wait3A_437 = arith.constant 0 : i32
          %dma_wait3A_438 = tpu.memref_slice %arg4[%dma_wait3A_436, %mul3A_425, %dma_wait3A_437] : memref<1x4864x1024xf32, #tpu.memory_space<hbm>> -> memref<1x4x1024xf32, #tpu.memory_space<hbm>>
          %dma_wait3A_439 = arith.constant 0 : i32
          %dma_wait3A_440 = arith.constant 0 : i32
          %dma_wait3A_441 = arith.constant 0 : i32
          %dma_wait3A_442 = tpu.memref_slice %run_scoped3A_10[%rem3A_423, %dma_wait3A_439, %dma_wait3A_440, %dma_wait3A_441] : memref<2x1x4x1024xf32, #tpu.memory_space<vmem>> -> memref<1x1x4x1024xf32, #tpu.memory_space<vmem>>
          %dma_wait3A_443 = tpu.memref_squeeze %dma_wait3A_442 : memref<1x1x4x1024xf32, #tpu.memory_space<vmem>> -> memref<1x4x1024xf32, #tpu.memory_space<vmem>>
          tpu.wait_dma2 semaphore(%dma_wait3A_435 : memref<!tpu.dma_semaphore, #tpu.memory_space<semaphore_mem>>) src(%dma_wait3A_443 : memref<1x4x1024xf32, #tpu.memory_space<vmem>>) dst(%dma_wait3A_438 : memref<1x4x1024xf32, #tpu.memory_space<hbm>>)
          "tpu.trace_stop"() : () -> ()
        } else {
        }
        %and3A_383 = arith.constant true
        %and3A_384 = arith.andi %and3A_379, %and3A_383 : i1
        %add3A_385 = arith.constant 1 : i32
        %add3A_386 = arith.addi %scan3A_167, %add3A_385 : i32
        %select_n3A_387 = arith.select %and3A_384, %add3A_386, %scan3A_167 : i32
        %add3A_388 = arith.constant 832 : i32
        %add3A_389 = arith.addi %add3A_388, %add3A_173 : i32
        %add3A_390 = arith.constant 832 : i32
        %add3A_391 = arith.addi %add3A_390, %add3A_191 : i32
        %ne3A_392 = arith.cmpi ne, %add3A_389, %add3A_391 : i32
        %or3A_393 = arith.constant false
        %or3A_394 = arith.ori %or3A_393, %ne3A_392 : i1
        %or3A_395 = arith.constant false
        %or3A_396 = arith.ori %or3A_394, %or3A_395 : i1
        %or3A_397 = arith.ori %or3A_396, %eq3A_172 : i1
        %add3A_398 = arith.constant 1 : i32
        %add3A_399 = arith.addi %scan3A_163, %add3A_398 : i32
        %select_n3A_400 = arith.select %or3A_397, %add3A_399, %scan3A_163 : i32
        %add3A_401 = arith.constant 832 : i32
        %add3A_402 = arith.addi %add3A_401, %add3A_173 : i32
        %add3A_403 = arith.constant 832 : i32
        %add3A_404 = arith.addi %add3A_403, %add3A_191 : i32
        %ne3A_405 = arith.cmpi ne, %add3A_402, %add3A_404 : i32
        %or3A_406 = arith.constant false
        %or3A_407 = arith.ori %or3A_406, %ne3A_405 : i1
        %or3A_408 = arith.constant false
        %or3A_409 = arith.ori %or3A_407, %or3A_408 : i1
        %or3A_410 = arith.ori %or3A_409, %eq3A_172 : i1
        %add3A_411 = arith.constant 1 : i32
        %add3A_412 = arith.addi %scan3A_165, %add3A_411 : i32
        %select_n3A_413 = arith.select %or3A_410, %add3A_412, %scan3A_165 : i32
        %add3A_414 = arith.constant 1 : i32
        %add3A_415 = arith.addi %scan3A_168, %add3A_414 : i32
        %select_n3A_416 = arith.constant true
        %select_n3A_417 = arith.select %select_n3A_416, %add3A_415, %scan3A_168 : i32
        %eq3A_418 = arith.constant 38 : i32
        %eq3A_419 = arith.cmpi eq, %select_n3A_417, %eq3A_418 : i32
        %select_n3A_420 = arith.constant 0 : i32
        %select_n3A_421 = arith.select %eq3A_419, %select_n3A_420, %select_n3A_417 : i32
        scf.yield %select_n3A_215, %select_n3A_400, %select_n3A_237, %select_n3A_413, %select_n3A_337, %select_n3A_387, %select_n3A_421 : i32, i32, i32, i32, i32, i32, i32
      }
      %scan3A_104 = arith.constant 38 : i32
      %sub3A = arith.constant 1 : i32
      %sub3A_105 = arith.subi %scan3A_103#6, %sub3A : i32
      %select_n3A_106 = arith.constant true
      %select_n3A_107 = arith.select %select_n3A_106, %sub3A_105, %scan3A_103#6 : i32
      %eq3A_108 = arith.constant -1 : i32
      %eq3A_109 = arith.cmpi eq, %select_n3A_107, %eq3A_108 : i32
      %select_n3A_110 = arith.constant 37 : i32
      %select_n3A_111 = arith.select %eq3A_109, %select_n3A_110, %select_n3A_107 : i32
      %add3A_112 = arith.addi %select_n3A_111, %mul3A_6 : i32
      %sub3A_113 = arith.constant 1 : i32
      %sub3A_114 = arith.subi %select_n3A_111, %sub3A_113 : i32
      %select_n3A_115 = arith.constant true
      %select_n3A_116 = arith.select %select_n3A_115, %sub3A_114, %select_n3A_111 : i32
      %eq3A_117 = arith.constant -1 : i32
      %eq3A_118 = arith.cmpi eq, %select_n3A_116, %eq3A_117 : i32
      %select_n3A_119 = arith.constant 37 : i32
      %select_n3A_120 = arith.select %eq3A_118, %select_n3A_119, %select_n3A_116 : i32
      %add3A_121 = arith.addi %select_n3A_120, %mul3A_6 : i32
      %add3A_122 = arith.constant 1 : i32
      %add3A_123 = arith.addi %select_n3A_111, %add3A_122 : i32
      %select_n3A_124 = arith.constant true
      %select_n3A_125 = arith.select %select_n3A_124, %add3A_123, %select_n3A_111 : i32
      %eq3A_126 = arith.constant 38 : i32
      %eq3A_127 = arith.cmpi eq, %select_n3A_125, %eq3A_126 : i32
      %select_n3A_128 = arith.constant 0 : i32
      %select_n3A_129 = arith.select %eq3A_127, %select_n3A_128, %select_n3A_125 : i32
      %add3A_130 = arith.addi %select_n3A_129, %mul3A_6 : i32
      %add3A_131 = arith.constant 1 : i32
      %add3A_132 = arith.addi %select_n3A_129, %add3A_131 : i32
      %select_n3A_133 = arith.constant true
      %select_n3A_134 = arith.select %select_n3A_133, %add3A_132, %select_n3A_129 : i32
      %eq3A_135 = arith.constant 38 : i32
      %eq3A_136 = arith.cmpi eq, %select_n3A_134, %eq3A_135 : i32
      %select_n3A_137 = arith.constant 0 : i32
      %select_n3A_138 = arith.select %eq3A_136, %select_n3A_137, %select_n3A_134 : i32
      %add3A_139 = arith.addi %select_n3A_138, %mul3A_6 : i32
      "tpu.trace_start"() <{level = 10 : i32, message = "ep_finalize"}> : () -> ()
      %rem3A_140 = arith.constant 2 : i32
      %rem3A_141 = arith.remui %scan3A_103#5, %rem3A_140 : i32
      %mul3A_142 = arith.constant 4 : i32
      %mul3A_143 = arith.muli %mul3A_142, %add3A_112 : i32
      %dma_wait3A = arith.constant 0 : i32
      %dma_wait3A_144 = arith.constant 0 : i32
      %dma_wait3A_145 = arith.constant 0 : i32
      %dma_wait3A_146 = tpu.memref_slice %run_scoped3A_10[%rem3A_141, %dma_wait3A, %dma_wait3A_144, %dma_wait3A_145] : memref<2x1x4x1024xf32, #tpu.memory_space<vmem>> -> memref<1x1x4x1024xf32, #tpu.memory_space<vmem>>
      %dma_wait3A_147 = tpu.memref_squeeze %dma_wait3A_146 : memref<1x1x4x1024xf32, #tpu.memory_space<vmem>> -> memref<1x4x1024xf32, #tpu.memory_space<vmem>>
      %dma_wait3A_148 = arith.constant 0 : i32
      %dma_wait3A_149 = arith.constant 0 : i32
      %dma_wait3A_150 = tpu.memref_slice %arg4[%dma_wait3A_148, %mul3A_143, %dma_wait3A_149] : memref<1x4864x1024xf32, #tpu.memory_space<hbm>> -> memref<1x4x1024xf32, #tpu.memory_space<hbm>>
      %dma_wait3A_151 = tpu.memref_slice %run_scoped3A_11[%rem3A_141] : memref<2x!tpu.dma_semaphore, #tpu.memory_space<semaphore_mem>> -> memref<1x!tpu.dma_semaphore, #tpu.memory_space<semaphore_mem>>
      %dma_wait3A_152 = tpu.memref_squeeze %dma_wait3A_151 : memref<1x!tpu.dma_semaphore, #tpu.memory_space<semaphore_mem>> -> memref<!tpu.dma_semaphore, #tpu.memory_space<semaphore_mem>>
      %dma_wait3A_153 = arith.constant 0 : i32
      %dma_wait3A_154 = arith.constant 0 : i32
      %dma_wait3A_155 = tpu.memref_slice %arg4[%dma_wait3A_153, %mul3A_143, %dma_wait3A_154] : memref<1x4864x1024xf32, #tpu.memory_space<hbm>> -> memref<1x4x1024xf32, #tpu.memory_space<hbm>>
      %dma_wait3A_156 = arith.constant 0 : i32
      %dma_wait3A_157 = arith.constant 0 : i32
      %dma_wait3A_158 = arith.constant 0 : i32
      %dma_wait3A_159 = tpu.memref_slice %run_scoped3A_10[%rem3A_141, %dma_wait3A_156, %dma_wait3A_157, %dma_wait3A_158] : memref<2x1x4x1024xf32, #tpu.memory_space<vmem>> -> memref<1x1x4x1024xf32, #tpu.memory_space<vmem>>
      %dma_wait3A_160 = tpu.memref_squeeze %dma_wait3A_159 : memref<1x1x4x1024xf32, #tpu.memory_space<vmem>> -> memref<1x4x1024xf32, #tpu.memory_space<vmem>>
      tpu.wait_dma2 semaphore(%dma_wait3A_152 : memref<!tpu.dma_semaphore, #tpu.memory_space<semaphore_mem>>) src(%dma_wait3A_160 : memref<1x4x1024xf32, #tpu.memory_space<vmem>>) dst(%dma_wait3A_155 : memref<1x4x1024xf32, #tpu.memory_space<hbm>>)
      "tpu.trace_stop"() : () -> ()
      tpu.yield
    }) : () -> ()
    return
  }
}

module attributes {stable_mosaic.version = 14 : i64} {
  func.func @_add_bcast(%arg0: i32, %arg1: memref<1x256x1024xf32, #tpu.memory_space<vmem>>, %arg2: memref<256x1024xf32, #tpu.memory_space<vmem>>, %arg3: memref<1x256x1024xf32, #tpu.memory_space<vmem>>) attributes {dimension_semantics = [#tpu.dimension_semantics<parallel>], iteration_bounds = array<i64: 13>, scalar_prefetch = 0 : i64, scratch_operands = 0 : i64, tpu.core_type = #tpu.core_type<tc>, window_params = [{transform_indices = @transform_0, window_bounds = array<i64: 1, 256, 1024>}, {transform_indices = @transform_1, window_bounds = array<i64: 256, 1024>}, {transform_indices = @transform_2, window_bounds = array<i64: 1, 256, 1024>}]} {
    %get3A = arith.constant 0 : index
    %get3A_0 = arith.constant 0 : index
    %get3A_1 = arith.constant 0 : index
    %get3A_2 = vector.load %arg1[%get3A, %get3A_0, %get3A_1] : memref<1x256x1024xf32, #tpu.memory_space<vmem>>, vector<1x256x1024xf32>
    %get3A_3 = arith.constant 0 : index
    %get3A_4 = arith.constant 0 : index
    %get3A_5 = vector.load %arg2[%get3A_3, %get3A_4] : memref<256x1024xf32, #tpu.memory_space<vmem>>, vector<256x1024xf32>
    %broadcast_in_dim3A = vector.shape_cast %get3A_5 : vector<256x1024xf32> to vector<1x256x1024xf32>
    %add3A = arith.addf %get3A_2, %broadcast_in_dim3A : vector<1x256x1024xf32>
    %swap3A = arith.constant 0 : index
    %swap3A_6 = arith.constant 0 : index
    %swap3A_7 = arith.constant 0 : index
    %swap3A_8 = vector.load %arg3[%swap3A, %swap3A_6, %swap3A_7] : memref<1x256x1024xf32, #tpu.memory_space<vmem>>, vector<1x256x1024xf32>
    tpu.vector_store %arg3[%swap3A, %swap3A_6, %swap3A_7], %add3A {strides = array<i32>} : memref<1x256x1024xf32, #tpu.memory_space<vmem>>, vector<1x256x1024xf32>,
    return
  }
  func.func @transform_0(%arg0: i32) -> (i32, i32, i32) {
    %c3_i32 = arith.constant 3 : i32
    %c0_i32 = arith.constant 0 : i32
    %c0_i32_0 = arith.constant 0 : i32
    return %c3_i32, %arg0, %c0_i32 : i32, i32, i32
  }
  func.func @transform_1(%arg0: i32) -> (i32, i32) {
    %c0_i32 = arith.constant 0 : i32
    %c0_i32_0 = arith.constant 0 : i32
    return %arg0, %c0_i32 : i32, i32
  }
  func.func @transform_2(%arg0: i32) -> (i32, i32, i32) {
    %c0_i32 = arith.constant 0 : i32
    %c0_i32_0 = arith.constant 0 : i32
    %c0_i32_1 = arith.constant 0 : i32
    return %c0_i32, %arg0, %c0_i32_0 : i32, i32, i32
  }
}

module attributes {stable_mosaic.version = 14 : i64} {
  func.func @_add_bcast(%arg0: i32, %arg1: memref<3x256x1024xf32, #tpu.memory_space<vmem>>, %arg2: memref<256x1024xf32, #tpu.memory_space<vmem>>, %arg3: memref<3x256x1024xf32, #tpu.memory_space<vmem>>) attributes {dimension_semantics = [#tpu.dimension_semantics<parallel>], iteration_bounds = array<i64: 32>, scalar_prefetch = 0 : i64, scratch_operands = 0 : i64, tpu.core_type = #tpu.core_type<tc>, window_params = [{transform_indices = @transform_0, window_bounds = array<i64: 3, 256, 1024>}, {transform_indices = @transform_1, window_bounds = array<i64: 256, 1024>}, {transform_indices = @transform_2, window_bounds = array<i64: 3, 256, 1024>}]} {
    %get3A = arith.constant 0 : index
    %get3A_0 = arith.constant 0 : index
    %get3A_1 = arith.constant 0 : index
    %get3A_2 = vector.load %arg1[%get3A, %get3A_0, %get3A_1] : memref<3x256x1024xf32, #tpu.memory_space<vmem>>, vector<3x256x1024xf32>
    %get3A_3 = arith.constant 0 : index
    %get3A_4 = arith.constant 0 : index
    %get3A_5 = vector.load %arg2[%get3A_3, %get3A_4] : memref<256x1024xf32, #tpu.memory_space<vmem>>, vector<256x1024xf32>
    %broadcast_in_dim3A = vector.shape_cast %get3A_5 : vector<256x1024xf32> to vector<1x256x1024xf32>
    %add3A = vector.broadcast %broadcast_in_dim3A : vector<1x256x1024xf32> to vector<3x256x1024xf32>
    %add3A_6 = arith.addf %get3A_2, %add3A : vector<3x256x1024xf32>
    %swap3A = arith.constant 0 : index
    %swap3A_7 = arith.constant 0 : index
    %swap3A_8 = arith.constant 0 : index
    %swap3A_9 = vector.load %arg3[%swap3A, %swap3A_7, %swap3A_8] : memref<3x256x1024xf32, #tpu.memory_space<vmem>>, vector<3x256x1024xf32>
    tpu.vector_store %arg3[%swap3A, %swap3A_7, %swap3A_8], %add3A_6 {strides = array<i32>} : memref<3x256x1024xf32, #tpu.memory_space<vmem>>, vector<3x256x1024xf32>,
    return
  }
  func.func @transform_0(%arg0: i32) -> (i32, i32, i32) {
    %c0_i32 = arith.constant 0 : i32
    %c0_i32_0 = arith.constant 0 : i32
    %c0_i32_1 = arith.constant 0 : i32
    return %c0_i32, %arg0, %c0_i32_0 : i32, i32, i32
  }
  func.func @transform_1(%arg0: i32) -> (i32, i32) {
    %c0_i32 = arith.constant 0 : i32
    %c0_i32_0 = arith.constant 0 : i32
    return %arg0, %c0_i32 : i32, i32
  }
  func.func @transform_2(%arg0: i32) -> (i32, i32, i32) {
    %c0_i32 = arith.constant 0 : i32
    %c0_i32_0 = arith.constant 0 : i32
    %c0_i32_1 = arith.constant 0 : i32
    return %c0_i32, %arg0, %c0_i32_0 : i32, i32, i32
  }
}

</mosaic_0001>

<sc_bundles>
// kernel: kernel.5.cloned.1.call-start
scs
__scs_entry_jumppad:
0x0: {  	(pc) =	sbr.rel $0x88, $3  }
0x1: {  	(tag) =	ssettag $0x0;
	lr =	simm.s32 $0x1  }
0x2: {  	[smem:$0x3F9F] =	sst lr;
	_ =	strace $0xD0000000  }
0x3: {  	_ = 	snop  }
0x4: {  	_ = 	snop  }
0x5: {  	_ = 	snop  }
0x6: {  	_ = 	snop  }
0x7: {  	_ = 	snop  }
__scs_overlays_trampoline_lowered:
0x8: {  	[smem:$0x3FAE] =	sst s0  }
0x9: {  	[smem:$0x3FAF] =	sst s1  }
0xa: {  	[smem:$0x3FB0] =	sst s2  }
0xb: {  	[smem:$0x3FB1] =	sst s3  }
0xc: {  	[smem:$0x3FB2] =	sst s4  }
0xd: {  	[smem:$0x3FB3] =	sst s5  }
0xe: {  	[smem:$0x3FB4] =	sst s6  }
0xf: {  	[smem:$0x3FB5] =	sst s7  }
0x10: {  	[smem:$0x3FB6] =	sst s8  }
0x11: {  	[smem:$0x3FB7] =	sst s9;
	s0 =	simm.s32 @!p0 $0x0  }
0x12: {  	s1 =	sld [smem:$0x3F9D];
	s0 =	simm.s32 @p0 $0x1  }
0x13: {  	[smem:$0x3FB8] =	sst s0;
	s0 =	simm.s32 @!p1 $0x0  }
0x14: {  	s2 =	sld [smem:$0x3F9C];
	s0 =	simm.s32 @p1 $0x1  }
0x15: {  	[smem:$0x3FB9] =	sst s0;
	s0 =	simm.s32 @!p2 $0x0  }
0x16: {  	s3 =	sld [smem:$0x3FDB];
	s0 =	simm.s32 @p2 $0x1  }
0x17: {  	s4 =	simm.s32 $0x1BF5;
	[smem:$0x3FBB] =	sst s0  }
0x18: {  	s0 =	sld [smem:$0x3F9E];
	_ =	swait.ge [sflag:s4], $0x0  }
0x19: {  	s7 =	sld [smem:$0x3F9F]  }
0x1a: {  	s8 =	sadd.s32 $0xFFFFE003, lr  }
0x1b: {  	s9 =	sadd.s32 $0xFFFFFEF7, lr;
	s5 =	simm.s32 $0xFFFFFFFF;
	p2 =	slt.u32 s8, $0xFFFFF086  }
0x1c: {  	p1 =	slt.u32 s9, $0xF7A;
	s5 =	simm.s32 @!p2 $0x0  }
0x1d: {  	s5 =	simm.s32 @p1 $0x1;
	p0 =	seq.s32 s7, s2  }
0x1e: {  	s7 =	smul.u32 @!p0 $0xF7A, s2;
	p2 =	seq.s32 @!p0 s5, $0x0  }
0x1f: {  	s9 =	smul.u32 $0xF7A, s1;
	s8 =	simm.s32 @!p0 $0x1BF5;
	p2 =	por !p2, p0  }
0x20: {  	[sflag:s8] =	ssyncset.s32 @!p0 $0xFFFFF086;
	s6 =	sadd.s32 @!p0 s3, s7;
	s7 =	simm.s32 @!p0 $0x108  }
0x21: {  	s3 =	sadd.s32 s3, s9;
	s6 =	sadd.s32 @!p0 $0x88, s6;
	s7 =	simm.s32 @p2 $0x1082  }
0x22: {  	[simem:s7], [sflag:s8] =	dma.local @!p0 [hbm:s6], $0xF7A  }
0x23: {  	s9 =	sor.u32 $0xD0000000, s2;
	s6 =	simm.s32 $0x108;
	_ =	swait.ge @!p0 [sflag:s8], $0x0  }
0x24: {  	s3 =	sadd.s32 $0x88, s3;
	s6 =	simm.s32 @!p1 $0x1082;
	[sflag:s4] =	ssyncset.s32 $0xFFFFF086  }
0x25: {  	[simem:s6], [sflag:s4] =	dma.local [hbm:s3], $0xF7A  }
0x26: {  	[smem:$0x3F9F] =	sst s1;
	(tag) =	ssettag s2;
	_ =	strace s9  }
0x27: {  	s1 =	sld [smem:$0x3FAF]  }
0x28: {  	s2 =	sld [smem:$0x3FB0]  }
0x29: {  	s4 =	sld [smem:$0x3FB2]  }
0x2a: {  	p0 =	seq.s32 s5, $0x0;
	s5 =	sld [smem:$0x3FB3]  }
0x2b: {  	s6 =	sld [smem:$0x3FB4]  }
0x2c: {  	s7 =	sld [smem:$0x3FB5]  }
0x2d: {  	s3 =	simm.s32 $0x108;
	s8 =	sld [smem:$0x3FB6]  }
0x2e: {  	s3 =	simm.s32 @!p0 $0x1082;
	s9 =	sld [smem:$0x3FB7]  }
0x2f: {  	lr =	sadd.s32 s0, s3;
	s0 =	sld [smem:$0x3FAE]  }
0x30: {  	s3 =	sld [smem:$0x3FB1]  }
0x31: {  	[smem:$0x3FBA] =	sst s10  }
0x32: {  	s10 =	sld [smem:$0x3FB8];
	_ =	sdelay $0x3  }
0x33: {  	p0 =	seq.s32 s10, $0x1;
	s10 =	sld [smem:$0x3FBA];
	_ =	sdelay $0x3  }
0x34: {  	[smem:$0x3FBA] =	sst s10  }
0x35: {  	s10 =	sld [smem:$0x3FB9];
	_ =	sdelay $0x3  }
0x36: {  	p1 =	seq.s32 s10, $0x1;
	s10 =	sld [smem:$0x3FBA];
	_ =	sdelay $0x3  }
0x37: {  	[smem:$0x3FBA] =	sst s10  }
0x38: {  	s10 =	sld [smem:$0x3FBB]  }
0x39: {  	_ = 	snop;
	(pc) =	sbr.ind lr, $3  }
0x3a: {  	_ = 	snop  }
0x3b: {  	_ = 	snop  }
0x3c: {  	p2 =	seq.s32 s10, $0x1;
	s10 =	sld [smem:$0x3FBA]  }
0x3d: {  	_ =	shalt  }
0x3e: {  	_ =	shalt  }
0x3f: {  	_ =	shalt  }
0x40: {  	_ =	shalt  }
0x41: {  	_ =	shalt  }
0x42: {  	_ =	shalt  }
0x43: {  	_ =	shalt  }
0x44: {  	_ =	shalt  }
0x45: {  	_ =	shalt  }
0x46: {  	_ =	shalt  }
0x47: {  	_ =	shalt  }
0x48: {  	_ =	shalt  }
0x49: {  	_ =	shalt  }
0x4a: {  	_ =	shalt  }
0x4b: {  	_ =	shalt  }
0x4c: {  	_ =	shalt  }
0x4d: {  	_ =	shalt  }
0x4e: {  	_ =	shalt  }
0x4f: {  	_ =	shalt  }
0x50: {  	_ =	shalt  }
0x51: {  	_ =	shalt  }
0x52: {  	_ =	shalt  }
0x53: {  	_ =	shalt  }
0x54: {  	_ =	shalt  }
0x55: {  	_ =	shalt  }
0x56: {  	_ =	shalt  }
0x57: {  	_ =	shalt  }
0x58: {  	_ =	shalt  }
0x59: {  	_ =	shalt  }
0x5a: {  	_ =	shalt  }
0x5b: {  	_ =	shalt  }
0x5c: {  	_ =	shalt  }
0x5d: {  	_ =	shalt  }
0x5e: {  	_ =	shalt  }
0x5f: {  	_ =	shalt  }
0x60: {  	_ =	shalt  }
0x61: {  	_ =	shalt  }
0x62: {  	_ =	shalt  }
0x63: {  	_ =	shalt  }
0x64: {  	_ =	shalt  }
0x65: {  	_ =	shalt  }
0x66: {  	_ =	shalt  }
0x67: {  	_ =	shalt  }
0x68: {  	_ =	shalt  }
0x69: {  	_ =	shalt  }
0x6a: {  	_ =	shalt  }
0x6b: {  	_ =	shalt  }
0x6c: {  	_ =	shalt  }
0x6d: {  	_ =	shalt  }
0x6e: {  	_ =	shalt  }
0x6f: {  	_ =	shalt  }
0x70: {  	_ =	shalt  }
0x71: {  	_ =	shalt  }
0x72: {  	_ =	shalt  }
0x73: {  	_ =	shalt  }
0x74: {  	_ =	shalt  }
0x75: {  	_ =	shalt  }
0x76: {  	_ =	shalt  }
0x77: {  	_ =	shalt  }
0x78: {  	_ =	shalt  }
0x79: {  	_ =	shalt  }
0x7a: {  	_ =	shalt  }
0x7b: {  	_ =	shalt  }
0x7c: {  	_ =	shalt  }
0x7d: {  	_ =	shalt  }
0x7e: {  	_ =	shalt  }
0x7f: {  	_ =	shalt  }
0x80: {  	_ =	shalt  }
0x81: {  	_ =	shalt  }
0x82: {  	_ =	shalt  }
0x83: {  	_ =	shalt  }
0x84: {  	_ =	shalt  }
0x85: {  	_ =	shalt  }
0x86: {  	_ =	shalt  }
0x87: {  	_ =	shalt  }
.Lfunc_end0:
.L_simem_size_0:
called_computation_lowered:
.L_overlay_start_0:
0x88: {  	s2 =	sld [smem:$0x3FD9]  }
0x89: {  	s3 =	sld [smem:$0x3FFE];
	_ =	sdelay $0x1  }
0x8a: {  	s1 =	srdreg.scid  }
0x8b: {  	s0 =	sand.u32 $0x1, s1  }
0x8c: {  	s17 =	sshll.u32 s0, $0xA;
	s2 =	sadd.s32 s3, s2  }
0x8d: {  	s2 =	sadd.s32 s2, s17  }
0x8e: {  	[smem:$0x3FC6] =	sst s2  }
0x8f: {  	_ = 	snop  }
0x90: {  	s2 =	sld [smem:$0x3FC9]  }
0x91: {  	s18 =	sld [smem:$0x3FC8];
	(tm) =	ssettm $0x1  }
0x92: {  	s4 =	sld [smem:$0x3FFB];
	_ =	sdelay $0x3  }
0x93: {  	_ =	strace s4  }
0x94: {  	s4 =	sld [smem:$0x3FFC];
	_ =	sdelay $0x3  }
0x95: {  	_ =	strace s4  }
0x96: {  	s4 =	sld [smem:$0x3FFD];
	_ =	sdelay $0x3  }
0x97: {  	_ =	strace s4  }
0x98: {  	_ =	strace $0x8FFFFFFF  }
0x99: {  	s19 =	sld [smem:$0x3FDB];
	_ =	sdelay $0x1  }
0x9a: {  	s5 =	simm.s32 $_scs_section_size  }
0x9b: {  	s6 =	simm.s32 $_size__tile_overlayer_lowered;
	s7 =	simm.s32 $_tile_overlayer_lowered  }
0x9c: {  	s22 =	simm.s32 $0x1BFF;
	s21 =	sshll.u32 s7, $0x1;
	s4 =	sadd.s32 s5, s19  }
0x9d: {  	s8 =	simm.s32 $0x0;
	s20 =	sshll.u32 s6, $0x1;
	s6 =	sadd.s32 s21, s4  }
0x9e: {  	[timem:s8], [sflag:s22] =	dma.local [hbm:s6], s20  }
0x9f: {  	_ =	swait.ge [sflag:s22], s20  }
0xa0: {  	s5 =	ssub.s32 $0x0, s20;
	[sflag:s22] =	ssyncset.done $0x0  }
0xa1: {  	[sflag:s22] =	ssyncadd.s32 s5;
	_ =	sdelay $0x1  }
0xa2: {  	s23 =	simm.s32 $0x1B8B  }
0xa3: {  	_ =	swait.ge [sflag:s23], $0x1  }
0xa4: {  	[sflag:s23] =	ssyncset.done $0x0  }
0xa5: {  	s25 =	simm.s32 $0x1B8E;
	s24 =	sld [smem:$0x3FFE];
	[sflag:s23] =	ssyncadd.s32 $0xFFFFFFFF  }
0xa6: {  	s26 =	simm.s32 $execute0_lowered;
	[smem:$0x3FD2] =	sst s25  }
0xa7: {  	s6 =	sshll.u32 s26, $0x1;
	_ =	strace $0x80000046;
	[dreg:$0x1] =	wrdreg $0xFFFFFFFF  }
0xa8: {  	s28 =	simm.s32 $_size_execute0_lowered;
	s4 =	sadd.s32 s4, s6;
	[dreg:$0x0] =	wrdreg $0x0  }
0xa9: {  	s6 =	sshll.u32 s28, $0x1;
	[dreg:$0x2] =	wrdreg s4  }
0xaa: {  	[dreg:$0x3] =	wrdreg s6  }
0xab: {  	[dreg:$0x4] =	wrdreg $0xC0  }
0xac: {  	_ =	task [dreg:s8], $0x5FFFF  }
0xad: {  	[dreg:$0x1] =	wrdreg $0xFFFFFFFF  }
0xae: {  	[dreg:$0x0] =	wrdreg $0x60  }
0xaf: {  	[dreg:$0x2] =	wrdreg s2  }
0xb0: {  	[dreg:$0x3] =	wrdreg s18  }
0xb1: {  	[dreg:$0x4] =	wrdreg s24  }
0xb2: {  	[dreg:$0x5] =	wrdreg $0x9  }
0xb3: {  	_ =	task.clear_ibuf [dreg:s8], $0x6FFFF;
	_ =	strace $0x90000046  }
0xb4: {  	s29 =	simm.s32 $0x9;
	_ =	strace $0x80000051  }
0xb5: {  	_ =	swait.ge [sflag:s29], $0x1  }
0xb6: {  	[sflag:s29] =	ssyncadd.s32 $0xFFFFFFFF  }
0xb7: {  	_ =	strace $0x90000051  }
0xb8: {  	_ =	sfence  }
0xb9: {  	s30 =	sld [smem:$0x0];
	_ =	sdelay $0x2  }
0xba: {  	s31 =	sshll.u32 s1, $0xD;
	s1 =	sshrl.u32 s1, $0x2  }
0xbb: {  	s3 =	sand.u32 $0x4000, s31;
	s1 =	sadd.s32 s1, s30  }
0xbc: {  	s0 =	sor.u32 s3, s0;
	s1 =	sshll.u32 s1, $0x11  }
0xbd: {  	s0 =	sor.u32 s1, s0  }
0xbe: {  	s0 =	sadd.s32 $0x8F2B, s0  }
0xbf: {  	[sflag:s0] =	ssyncadd.remote.s32 $0x1  }
0xc0: {  	_ =	sfence.sel $0xFFFF  }
0xc1: {  	[dreg:$0x0] =	wrdreg $0xFFFFFFFF;
	(pc) =	sbr.abs _section_cstart, $3  }
0xc2: {  	[dreg:$0x1] =	wrdreg $0xFFFFFFFF  }
0xc3: {  	_ =	task.clear_ibuf [dreg:s8], $0x2FFFF;
	_ =	strace $0x9FFFFFFF  }
0xc4: {  	(tm) =	ssettm $0x7FFFFFFF  }
0xc5: {  	_ =	shalt  }
tec
execute0_lowered:
.L_overlay_start_1:
0x0: {  	(tag) =	ssettag $0x1  }
0x1: {  	s1 =	srdreg.scid  }
0x2: {  	s0 =	rddreg [dreg:$0x0];
	s1 =	sand.u32 $0x1, s1  }
0x3: {  	s8 =	rddreg [dreg:$0x1];
	s3 =	stileid.u32;
	s4 =	sshll.u32 s1, $0x4  }
0x4: {  	s2 =	rddreg [dreg:$0x2];
	s5 =	simm.s32 $0x0;
	s4 =	sor.u32 s3, s4  }
0x5: {  	s30 =	simm.s32 $0x0;
	s1 =	ssub.s32 $0x2, s1;
	s7 =	smul.u32 $0x26000, s4  }
0x6: {  	[smem:$0x7FF] =	sst s5;
	s5 =	sadd.s32 $0x400, s2;
	s25 =	sshrl.u32 s1, $0x1  }
0x7: {  	_ =	strace $0x80000047;
	s1 =	ssub.s32 s1, s25;
	s26 =	sshrl.u32 s7, $0x3  }
0x8: {  	s6 =	smul.u32 $0x26, s4;
	s31 =	smax.u32 s1, $0x1;
	s28 =	sadd.s32 s0, s26  }
0x9: {  	[dreg:$0x6] =	wrdreg s31;
	s4 =	sadd.s32 s8, s26;
	s0 =	sadd.s32 $0x368000, s28  }
0xa: {  	s3 =	smov.u32 s8;
	s29 =	sadd.s32 $0x68000, s4;
	[dreg:$0x4] =	wrdreg s0  }
0xb: {  	s1 =	simm.s32 $0x0;
	s9 =	sadd.s32 $0x340, s6;
	[dreg:$0x5] =	wrdreg s29  }
.LBB2_1:
0xc: {  	[dreg:$0x7] =	wrdreg s1;
	s0 =	simm.s32 $0x0  }
0xd: {  	s2 =	simm.s32 $0x200;
	s4 =	simm.s32 $0x400;
	s31 =	simm.s32 $0x2000  }
0xe: {  	s24 =	simm.s32 $0x0;
	s16 =	simm.s32 $0x0;
	_ =	strace $0x80000048  }
0xf: {  	s17 =	simm.s32 $0x0;
	s18 =	simm.s32 $0x0;
	s28 =	rddreg [dreg:$0x4]  }
0x10: {  	[tilespmem:s0], [sflag:$0x1] =	stream.strided.gather [hbm4b:s28+s2], $0x1000, s4, s2, $0x200038;
	[tilespmem:$0x6000] =	vst v63  }
0x11: {  	s19 =	simm.s32 $0x1;
	s20 =	simm.s32 $0x0;
	s29 =	rddreg [dreg:$0x5]  }
0x12: {  	[tilespmem:s31], [sflag:$0x3] =	stream.strided.gather [hbm4b:s29+s2], $0x1000, s4, s2, $0x200038;
	[tilespmem:$0x6000] =	vst v63  }
0x13: {  	s21 =	simm.s32 $0x1;
	s22 =	simm.s32 $0x0;
	_ =	strace $0x90000048  }
.LBB2_2:
0x14: {  	s23 =	sadd.s32 $0x1, s24  }
0x15: {  	p0 =	seq.s32 s23, $0x26  }
0x16: {  	s23 =	simm.s32 @p0 $0x0;
	p0 =	seq.s32 s22, $0x25  }
0x17: {  	p1 =	seq.s32 @!p0 s24, s23  }
0x18: {  	p2 =	por p1, p0  }
0x19: {  	s1 =	sadd.s32 @!p2 s23, s9  }
0x1a: {  	s2 =	sshll.u32 @!p2 s23, $0x9;
	s1 =	sshll.u32 @!p2 s1, $0xC  }
0x1b: {  	s2 =	sand.u32 @!p2 $0x200, s2;
	s1 =	sand.u32 @!p2 $0xFFFFE000, s1  }
0x1c: {  	_ =	strace @!p2 $0x80000049;
	s1 =	sor.u32 @!p2 s2, s1  }
0x1d: {  	s7 =	sand.u32 @!p2 $0x1, s21;
	s12 =	simm.s32 @!p2 $0x200;
	s2 =	sadd.s32 @!p2 $0x1800000, s1  }
0x1e: {  	s13 =	simm.s32 @!p2 $0x400;
	s0 =	rddreg [dreg:$0x0];
	s2 =	sshrl.u32 @!p2 s2, $0x3  }
0x1f: {  	s11 =	sshll.u32 @!p2 s7, $0xC;
	s7 =	sadd.s32 @!p2 $0x1, s7;
	s2 =	sadd.s32 @!p2 s0, s2  }
0x20: {  	[tilespmem:s11], [sflag:s7] =	stream.strided.gather @!p2 [hbm4b:s2+s12], $0x1000, s13, s12, $0x200038;
	[tilespmem:$0x6000] =	vst v63  }
0x21: {  	s1 =	sshrl.u32 @!p2 s1, $0x3;
	s2 =	sand.u32 @!p2 $0x1, s19  }
0x22: {  	s1 =	sadd.s32 @!p2 s3, s1;
	_ =	strace @!p2 $0x90000049;
	s7 =	sshll.u32 @!p2 s2, $0xC  }
0x23: {  	s2 =	sadd.s32 @!p2 $0x3, s2;
	_ =	strace @!p2 $0x8000004A;
	s7 =	sor.u32 @!p2 $0x2000, s7  }
0x24: {  	[tilespmem:s7], [sflag:s2] =	stream.strided.gather @!p2 [hbm4b:s1+s12], $0x1000, s13, s12, $0x200038;
	[tilespmem:$0x6000] =	vst v63  }
0x25: {  	s11 =	sand.u32 $0x1, s20;
	_ =	strace @!p2 $0x9000004A  }
0x26: {  	s1 =	sadd.s32 $0x1, s11;
	_ =	strace $0x8000004B  }
0x27: {  	s4 =	smov.u32 s21;
	s26 =	sadd.s32 s6, s24;
	_ =	swait.ge [sflag:s1], $0x1000  }
0x28: {  	s25 =	simm.s32 $0x0;
	s28 =	sand.u32 $0x1, s17;
	[sflag:s1] =	ssyncset.done $0x0  }
0x29: {  	s14 =	sshll.u32 s20, $0xC;
	s31 =	simm.s32 $0x0;
	[sflag:s1] =	ssyncadd.s32 $0xFFFFF000  }
0x2a: {  	s15 =	sshll.u32 s28, $0xC;
	s12 =	sand.u32 $0x1, s18;
	_ =	strace $0x9000004B  }
0x2b: {  	p1 =	por !p1, p0;
	s1 =	sadd.s32 $0x3, s12;
	_ =	strace $0x8000004C  }
0x2c: {  	s29 =	sor.u32 $0x4000, s15;
	s25 =	simm.s32 @p1 $0x1;
	_ =	swait.ge [sflag:s1], $0x1000  }
0x2d: {  	s2 =	sadd.s32 @!p2 $0x1, s21;
	s13 =	sshll.u32 s18, $0xC;
	[sflag:s1] =	ssyncset.done $0x0  }
0x2e: {  	s21 =	smov.u32 @p1 s2;
	[sflag:s1] =	ssyncadd.s32 $0xFFFFF000;
	s1 =	sand.u32 $0x1000, s13  }
0x2f: {  	s2 =	sand.u32 $0x1000, s14;
	_ =	strace $0x9000004C;
	s1 =	sor.u32 $0x2000, s1  }
0x30: {  	v2 =	vmov s29;
	s25 =	simm.s32 @p0 $0x0;
	s21 =	smov.u32 @p0 s4;
	v0 =	vmov s2;
	_ =	strace $0x8000004D;
	v1 =	vmov s1  }
.LBB2_3:
0x31: {  	_ = 	snop  }
0x32: {  	s1 =	sshll.u32 s31, $0x7;
	s7 =	sand.u32 $0x40, s30  }
0x33: {  	s11 =	sand.u32 $0xE00, s30;
	s2 =	sor.u32 s1, s7  }
0x34: {  	s4 =	sor.u32 s11, s2  }
0x35: {  	v3 =	vld.idx.msk [tilespmem:v0+s4+$0x0 ss:$0x1], $0xffff  }
0x36: {  	v4 =	vld.idx.msk [tilespmem:v1+s4+$0x0 ss:$0x1], $0xffff;
	_ =	sdelay $0x4  }
0x37: {  	s2 =	sor.u32 $0x10, s1;
	v3 =	vadd.f32 v4, v3  }
0x38: {  	s12 =	sor.u32 s2, s7  }
0x39: {  	s12 =	sor.u32 s11, s12;
	[tilespmem:v2+s4+$0x0 ss:$0x1] =	vst.idx.msk $0xffff, v3  }
0x3a: {  	v3 =	vld.idx.msk [tilespmem:v0+s12+$0x0 ss:$0x1], $0xffff  }
0x3b: {  	v4 =	vld.idx.msk [tilespmem:v1+s12+$0x0 ss:$0x1], $0xffff;
	_ =	sdelay $0x4  }
0x3c: {  	s4 =	sor.u32 $0x20, s1;
	v3 =	vadd.f32 v4, v3  }
0x3d: {  	s13 =	sor.u32 s4, s7  }
0x3e: {  	s15 =	sor.u32 s11, s13;
	[tilespmem:v2+s12+$0x0 ss:$0x1] =	vst.idx.msk $0xffff, v3  }
0x3f: {  	v3 =	vld.idx.msk [tilespmem:v0+s15+$0x0 ss:$0x1], $0xffff  }
0x40: {  	v4 =	vld.idx.msk [tilespmem:v1+s15+$0x0 ss:$0x1], $0xffff;
	_ =	sdelay $0x4  }
0x41: {  	s13 =	sor.u32 $0x30, s1;
	v3 =	vadd.f32 v4, v3  }
0x42: {  	s7 =	sor.u32 s13, s7  }
0x43: {  	s12 =	sor.u32 s11, s7;
	[tilespmem:v2+s15+$0x0 ss:$0x1] =	vst.idx.msk $0xffff, v3  }
0x44: {  	v3 =	vld.idx.msk [tilespmem:v0+s12+$0x0 ss:$0x1], $0xffff  }
0x45: {  	s11 =	simm.s32 $0x40;
	s7 =	simm.s32 $0x0;
	v4 =	vld.idx.msk [tilespmem:v1+s12+$0x0 ss:$0x1], $0xffff  }
.LBB2_4:
0x46: {  	_ = 	snop  }
0x47: {  	p1 =	sne.s32 s11, $0x3C0  }
0x48: {  	s7 =	sadd.s32 $0x100, s7;
	s8 =	smov.u32 s11;
	s11 =	sadd.s32 $0x40, s11  }
0x49: {  	_ = 	snop  }
0x4a: {  	s8 =	sand.u32 $0x40, s8;
	v3 =	vadd.f32 v4, v3  }
0x4b: {  	s10 =	sand.u32 $0xE00, s7;
	s14 =	sor.u32 s1, s8;
	s15 =	sor.u32 s2, s8  }
0x4c: {  	s0 =	sor.u32 s4, s8;
	s8 =	sor.u32 s13, s8;
	s14 =	sor.u32 s10, s14;
	[tilespmem:v2+s12+$0x0 ss:$0x1] =	vst.idx.msk $0xffff, v3  }
0x4d: {  	v3 =	vld.idx.msk [tilespmem:v0+s14+$0x0 ss:$0x1], $0xffff  }
0x4e: {  	v4 =	vld.idx.msk [tilespmem:v1+s14+$0x0 ss:$0x1], $0xffff;
	_ =	sdelay $0x5  }
0x4f: {  	v3 =	vadd.f32 v4, v3;
	_ =	sdelay $0x1  }
0x50: {  	s12 =	sor.u32 s10, s15;
	[tilespmem:v2+s14+$0x0 ss:$0x1] =	vst.idx.msk $0xffff, v3  }
0x51: {  	v3 =	vld.idx.msk [tilespmem:v0+s12+$0x0 ss:$0x1], $0xffff  }
0x52: {  	v4 =	vld.idx.msk [tilespmem:v1+s12+$0x0 ss:$0x1], $0xffff;
	_ =	sdelay $0x5  }
0x53: {  	v3 =	vadd.f32 v4, v3;
	_ =	sdelay $0x1  }
0x54: {  	s0 =	sor.u32 s10, s0;
	[tilespmem:v2+s12+$0x0 ss:$0x1] =	vst.idx.msk $0xffff, v3  }
0x55: {  	v3 =	vld.idx.msk [tilespmem:v0+s0+$0x0 ss:$0x1], $0xffff  }
0x56: {  	v4 =	vld.idx.msk [tilespmem:v1+s0+$0x0 ss:$0x1], $0xffff;
	_ =	sdelay $0x5  }
.Ltmp0:
0x57: {  	v3 =	vadd.f32 v4, v3;
	(pc) =	sbr.rel @p1 .LBB2_4-.Ltmp0, $4  }
0x58: {  	_ = 	snop  }
0x59: {  	s12 =	sor.u32 s10, s8;
	[tilespmem:v2+s0+$0x0 ss:$0x1] =	vst.idx.msk $0xffff, v3  }
0x5a: {  	v3 =	vld.idx.msk [tilespmem:v0+s12+$0x0 ss:$0x1], $0xffff  }
0x5b: {  	v4 =	vld.idx.msk [tilespmem:v1+s12+$0x0 ss:$0x1], $0xffff  }
0x5c: {  	s31 =	sadd.s32 $0x1, s31  }
0x5d: {  	p1 =	sne.s32 s31, $0x4  }
.Ltmp1:
0x5e: {  	_ = 	snop;
	(pc) =	sbr.rel @p1 .LBB2_3-.Ltmp1, $3  }
0x5f: {  	_ = 	snop  }
0x60: {  	v3 =	vadd.f32 v4, v3;
	_ =	sdelay $0x1  }
0x61: {  	[tilespmem:v2+s12+$0x0 ss:$0x1] =	vst.idx.msk $0xffff, v3  }
0x62: {  	p1 =	sne.s32 s24, s23  }
0x63: {  	p0 =	por p0, p1  }
0x64: {  	s0 =	sshll.u32 @p0 s26, $0xC;
	s1 =	sshll.u32 @p0 s24, $0x9  }
0x65: {  	s0 =	sand.u32 @p0 $0xFFFFE000, s0;
	s1 =	sand.u32 @p0 $0x200, s1  }
0x66: {  	_ =	strace $0x9000004D;
	p1 =	seq.s32 s22, $0x0;
	s0 =	sor.u32 @p0 s1, s0  }
0x67: {  	_ =	strace @p0 $0x8000004E;
	s2 =	simm.s32 @p0 $0x200;
	s0 =	sshrl.u32 @p0 s0, $0x3  }
0x68: {  	s4 =	simm.s32 @p0 $0x400;
	s1 =	sadd.s32 @p0 $0x5, s28;
	s0 =	sadd.s32 @p0 s5, s0  }
0x69: {  	[hbm4b:s0+s2] =	stream.strided.scatter @p0 [tilespmem:s29], [sflag:s1], $0x1000, s4, s2, $0x200038;
	[tilespmem:$0x6000] =	vst v63  }
0x6a: {  	s0 =	sand.u32 @!p1 $0x1, s16;
	_ =	strace @p0 $0x9000004E  }
0x6b: {  	s0 =	sadd.s32 @!p1 $0x5, s0;
	_ =	strace @!p1 $0x8000004F  }
0x6c: {  	s1 =	simm.s32 $0x1;
	_ =	swait.ge @!p1 [sflag:s0], $0x1000  }
0x6d: {  	s1 =	simm.s32 @!p0 $0x0;
	p0 =	sne.s32 s22, $0x0;
	[sflag:s0] =	ssyncset.done @!p1 $0x0  }
0x6e: {  	s22 =	sadd.s32 $0x1, s22;
	[sflag:s0] =	ssyncadd.s32 @!p1 $0xFFFFF000;
	s0 =	simm.s32 $0x1  }
0x6f: {  	s0 =	simm.s32 @!p0 $0x0;
	p0 =	sne.s32 s22, $0x26  }
.Ltmp2:
0x70: {  	_ = 	snop;
	(pc) =	sbr.rel @p0 .LBB2_2-.Ltmp2, $4  }
0x71: {  	_ = 	snop  }
0x72: {  	s19 =	sadd.s32 s19, s25  }
0x73: {  	s24 =	smov.u32 s23;
	s17 =	sadd.s32 s1, s17;
	s20 =	sadd.s32 s1, s20  }
0x74: {  	s18 =	sadd.s32 s1, s18;
	_ =	strace @!p1 $0x9000004F;
	s16 =	sadd.s32 s0, s16  }
0x75: {  	_ =	strace $0x80000050;
	s0 =	simm.s32 $0x6  }
0x76: {  	_ =	swait.ge [sflag:s0], $0x1000  }
0x77: {  	s1 =	rddreg [dreg:$0x7]  }
0x78: {  	s31 =	rddreg [dreg:$0x6];
	s1 =	sadd.s32 $0x1, s1  }
0x79: {  	p0 =	sne.s32 s1, s31  }
.Ltmp3:
0x7a: {  	_ = 	snop;
	(pc) =	sbr.rel @p0 .LBB2_1-.Ltmp3, $4  }
0x7b: {  	_ = 	snop  }
0x7c: {  	[sflag:s0] =	ssyncset.done $0x0  }
0x7d: {  	[sflag:s0] =	ssyncadd.s32 $0xFFFFF000  }
0x7e: {  	_ =	strace $0x90000050  }
0x7f: {  	_ =	sfence.sel $0x180000  }
0x80: {  	[bflag:$0x0] =	sbarrier.arrive $0xFFFF  }
0x81: {  	_ =	strace $0x90000047  }
0x82: {  	s0 =	stileid.u32;
	[bflag:$0x2] =	sbarrier.arrive $0xFFFF  }
0x83: {  	p0 =	sne.s32 s0, $0x0;
	s0 =	rddreg [dreg:$0x3]  }
0x84: {  	s0 =	sadd.s32 @!p0 $0x100000, s0  }
0x85: {  	[sflag:s0] =	ssyncadd.tile.s32 @!p0 $0x1;
	_ =	shalt  }
.Lfunc_end2:
_tile_overlayer_lowered:
.L_overlay_start_2:
0x86: {  	(tag) =	ssettag $0x2  }
0x87: {  	s0 =	rddreg [dreg:$0x0];
	s2 =	stileid.u32  }
0x88: {  	s1 =	rddreg [dreg:$0x1];
	p0 =	sne.s32 s2, $0x0  }
0x89: {  	s3 =	rddreg [dreg:$0x2];
	[bflag:$0x3] =	sbarrier.arrive $0xFFFF;
	s2 =	simm.s32 @!p0 $0x1C01  }
0x8a: {  	[timem:s3], [sflag:s2] =	dma.local @!p0 [hbm:s0], s1  }
0x8b: {  	s0 =	simm.s32 @!p0 $0x1  }
0x8c: {  	_ =	swait.ge @!p0 [sflag:s0], s1  }
0x8d: {  	s1 =	ssub.s32 @!p0 $0x0, s1;
	[sflag:s0] =	ssyncset.done @!p0 $0x0  }
0x8e: {  	[sflag:s0] =	ssyncadd.s32 @!p0 s1  }
0x8f: {  	[bflag:$0x3] =	sbarrier.arrive $0xFFFF  }
0x90: {  	_ =	shalt  }

</sc_bundles>
